<compile_context>
chip_gen: v7x
topology: tpu7x:2x2x1
jax: 0.10.2.dev20260603
libtpu: 0.0.44.dev20260713+nightly
codegen_flags: <defaults>
</compile_context>

<pallas_src>
import jax
import jax.numpy as jnp
from jax import lax
from jax.experimental import pallas as pl
from jax.experimental.pallas import tpu as pltpu
from jax.experimental.pallas import tpu_sc as plsc

_B, _S, _D = 16384, 200, 128
_N = _B * _S
_HALF = _D // 2
_NC, _NS = 2, 16
_NW = _NC * _NS
_PW = _N // _NW
_C = 320
_NBUF = 2
_NCHUNK = _PW // _C
_T2 = 168 * _D


def _sc_body(hour, day, rec, t2w, out, t2_v, idx_v, *bufs):
    hour_v = bufs[0:_NBUF]
    day_v = bufs[_NBUF:2 * _NBUF]
    rec_v = bufs[2 * _NBUF:3 * _NBUF]
    out_v = bufs[3 * _NBUF:4 * _NBUF]
    sem_in = bufs[4 * _NBUF:5 * _NBUF]
    sem_out = bufs[5 * _NBUF:6 * _NBUF]
    wid = lax.axis_index("s") * _NC + lax.axis_index("c")
    pltpu.sync_copy(t2w, t2_v)
    iota = lax.iota(jnp.int32, 16)
    wv = [t2_v[pl.ds(_T2 + 16 * j, 16)] for j in range(8)]
    base0 = wid * _PW

    def in_copies(g, b):
        base = base0 + g * _C
        return (
            pltpu.make_async_copy(hour.at[pl.ds(base, _C)], hour_v[b],
                                  sem_in[b]),
            pltpu.make_async_copy(day.at[pl.ds(base, _C)], day_v[b],
                                  sem_in[b]),
            pltpu.make_async_copy(rec.at[pl.ds(base, _C)], rec_v[b],
                                  sem_in[b]),
        )

    def out_copy(g, b):
        base = base0 + g * _C
        return pltpu.make_async_copy(out_v[b],
                                     out.at[pl.ds(base * _D, _C * _D)],
                                     sem_out[b])

    for c in in_copies(0, 0):
        c.start()

    @pl.loop(0, _NCHUNK, step=_NBUF)
    def outer(gg):
        for b in range(_NBUF):
            g = gg + b

            @pl.when(g + 1 < _NCHUNK)
            def _():
                for c in in_copies(g + 1, (b + 1) % _NBUF):
                    c.start()

            for c in in_copies(g, b):
                c.wait()

            @pl.when(g >= _NBUF)
            def _():
                out_copy(g - _NBUF, b).wait()

            hv, dv, rv, ov = hour_v[b], day_v[b], rec_v[b], out_v[b]

            @plsc.parallel_loop(0, _C // 16, 1, unroll=4)
            def pa(k):
                k16 = k * 16
                h16 = hv[pl.ds(k16, 16)]
                d16 = dv[pl.ds(k16, 16)]
                idx_v[pl.ds(k16, 16)] = h16 * (7 * _D) + d16 * _D

            @plsc.parallel_loop(0, _C, 1, unroll=4)
            def tok(i):
                i_s = jnp.full((16,), i, dtype=jnp.int32)
                idx0 = plsc.load_gather(idx_v, [i_s])
                r_b = plsc.load_gather(rv, [i_s])
                idxb = idx0 + iota
                o0 = i * _D
                for j in range(8):
                    t = plsc.load_gather(t2_v, [idxb + (16 * j)])
                    ov[pl.ds(o0 + 16 * j, 16)] = t + r_b * wv[j]

            out_copy(g, b).start()

    for b in range(_NBUF):
        out_copy(_NCHUNK - _NBUF + b, b).wait()


def kernel(hour, day, recency, hour_table, day_table, W, b):
    hour_f = hour.reshape(_N).astype(jnp.int32)
    day_f = day.reshape(_N).astype(jnp.int32)
    rec_f = recency.reshape(_N)
    t2 = jnp.concatenate([
        jnp.repeat(hour_table + b[:_HALF], 7, axis=0),
        jnp.tile(day_table + b[_HALF:], (24, 1)),
    ], axis=1)
    t2w = jnp.concatenate([t2.reshape(-1), W.reshape(-1)])

    mesh = plsc.VectorSubcoreMesh(core_axis_name="c", subcore_axis_name="s")
    out = pl.kernel(
        _sc_body,
        out_type=jax.ShapeDtypeStruct((_N * _D,), jnp.float32),
        mesh=mesh,
        compiler_params=pltpu.CompilerParams(needs_layout_passes=False),
        scratch_types=(
            [pltpu.VMEM((_T2 + _D,), jnp.float32),
             pltpu.VMEM((_C,), jnp.int32)]
            + [pltpu.VMEM((_C,), jnp.int32) for _ in range(_NBUF)]
            + [pltpu.VMEM((_C,), jnp.int32) for _ in range(_NBUF)]
            + [pltpu.VMEM((_C,), jnp.float32) for _ in range(_NBUF)]
            + [pltpu.VMEM((_C * _D,), jnp.float32) for _ in range(_NBUF)]
            + [pltpu.SemaphoreType.DMA for _ in range(2 * _NBUF)]
        ),
    )(hour_f, day_f, rec_f, t2w)
    return out.reshape(_B, _S, _D)

# --- scband reference (transcript-rebuilt; emitter-appended) ---
"""Pipeline reference for scband-time-embedding-11055245820388 (READ-ONLY COPY).

The authoritative reference and input builder live on the scoring server;
editing this copy changes nothing except your own understanding.
"""

import jax, jax.numpy as jnp
import numpy as np

B, S, D = 16384, 200, 128
NUM_HOURS, NUM_DAYS = 24, 7
HALF = D // 2

def setup_inputs(seed: int = 0) -> dict:
    key = jax.random.key(seed)
    k1, k2, k3, k4, k5, k6, k7 = jax.random.split(key, 7)
    hour = jax.random.randint(k1, (B, S), 0, NUM_HOURS, dtype=jnp.int64 if jax.config.read('jax_enable_x64') else jnp.int32)
    day = jax.random.randint(k2, (B, S), 0, NUM_DAYS, dtype=jnp.int64 if jax.config.read('jax_enable_x64') else jnp.int32)
    recency = jax.random.normal(k3, (B, S, 1), dtype=jnp.float32)
    hour_table = jax.random.normal(k4, (NUM_HOURS, HALF), dtype=jnp.float32) * 0.02
    day_table = jax.random.normal(k5, (NUM_DAYS, HALF), dtype=jnp.float32) * 0.02
    W = jax.random.normal(k6, (1, D), dtype=jnp.float32) * 0.02
    b = jax.random.normal(k7, (D,), dtype=jnp.float32) * 0.02
    return {"hour": hour, "day": day, "recency": recency,
            "hour_table": hour_table, "day_table": day_table, "W": W, "b": b}

def reference(hour, day, recency, hour_table, day_table, W, b):
    hour_emb = jnp.take(hour_table, hour, axis=0)   # (B, S, HALF)
    day_emb = jnp.take(day_table, day, axis=0)      # (B, S, HALF)
    time_emb = jnp.concatenate([hour_emb, day_emb], axis=-1)  # (B, S, D)
    recency_emb = recency @ W + b                   # (B, S, D)
    return time_emb + recency_emb

if __name__ == "__main__":
    import jax
    _d = setup_inputs()
    print(jax.jit(kernel)(*tuple(_d.values())))

</pallas_src>

<mosaic_0001>
#map = affine_map<(d0, d1) -> (0)>
module attributes {stable_mosaic.version = 14 : i64} {
  func.func @_sc_body(%arg0: i32, %arg1: i32, %arg2: memref<3276800xi32, #tpu.memory_space<hbm>>, %arg3: memref<3276800xi32, #tpu.memory_space<hbm>>, %arg4: memref<3276800xf32, #tpu.memory_space<hbm>>, %arg5: memref<21632xf32, #tpu.memory_space<hbm>>, %arg6: memref<419430400xf32, #tpu.memory_space<hbm>>, %arg7: memref<21632xf32, #tpu.memory_space<vmem>>, %arg8: memref<320xi32, #tpu.memory_space<vmem>>, %arg9: memref<320xi32, #tpu.memory_space<vmem>>, %arg10: memref<320xi32, #tpu.memory_space<vmem>>, %arg11: memref<320xi32, #tpu.memory_space<vmem>>, %arg12: memref<320xi32, #tpu.memory_space<vmem>>, %arg13: memref<320xf32, #tpu.memory_space<vmem>>, %arg14: memref<320xf32, #tpu.memory_space<vmem>>, %arg15: memref<40960xf32, #tpu.memory_space<vmem>>, %arg16: memref<40960xf32, #tpu.memory_space<vmem>>, %arg17: memref<!tpu.dma_semaphore, #tpu.memory_space<semaphore_mem>>, %arg18: memref<!tpu.dma_semaphore, #tpu.memory_space<semaphore_mem>>, %arg19: memref<!tpu.dma_semaphore, #tpu.memory_space<semaphore_mem>>, %arg20: memref<!tpu.dma_semaphore, #tpu.memory_space<semaphore_mem>>) attributes {dimension_semantics = [#tpu.dimension_semantics<core_parallel>, #tpu.dimension_semantics<subcore_parallel>], iteration_bounds = array<i64: 2, 16>, scalar_prefetch = 0 : i64, scratch_operands = 14 : i64, tpu.core_type = #tpu.core_type<sc_vector_subcore>, window_params = [{transform_indices = #map}, {transform_indices = #map}, {transform_indices = #map}, {transform_indices = #map}, {transform_indices = #map}]} {
    %mul3A = arith.constant 2 : i32
    %mul3A_0 = arith.muli %arg1, %mul3A : i32
    %add3A = arith.addi %mul3A_0, %arg0 : i32
    "tpu.region"() ({
      %run_scoped3A = tpu.sem_alloc : memref<!tpu.dma_semaphore, #tpu.memory_space<semaphore_mem>>
      tpu.enqueue_dma source(%arg5 : memref<21632xf32, #tpu.memory_space<hbm>>) target(%arg7 : memref<21632xf32, #tpu.memory_space<vmem>>) target_semaphore(%run_scoped3A : memref<!tpu.dma_semaphore, #tpu.memory_space<semaphore_mem>>)
      tpu.wait_dma2 semaphore(%run_scoped3A : memref<!tpu.dma_semaphore, #tpu.memory_space<semaphore_mem>>) src(%arg5 : memref<21632xf32, #tpu.memory_space<hbm>>) dst(%arg7 : memref<21632xf32, #tpu.memory_space<vmem>>)
      tpu.yield
    }) : () -> ()
    %iota3A = tpu.iota {dimensions = array<i32: 0>} : vector<16xi32>
    %get3A = arith.constant 21504 : index
    %get3A_1 = tpu.vector_load %arg7[%get3A] {strides = array<i32>} : memref<21632xf32, #tpu.memory_space<vmem>>, vector<16xf32>,
    %get3A_2 = arith.constant 21520 : index
    %get3A_3 = tpu.vector_load %arg7[%get3A_2] {strides = array<i32>} : memref<21632xf32, #tpu.memory_space<vmem>>, vector<16xf32>,
    %get3A_4 = arith.constant 21536 : index
    %get3A_5 = tpu.vector_load %arg7[%get3A_4] {strides = array<i32>} : memref<21632xf32, #tpu.memory_space<vmem>>, vector<16xf32>,
    %get3A_6 = arith.constant 21552 : index
    %get3A_7 = tpu.vector_load %arg7[%get3A_6] {strides = array<i32>} : memref<21632xf32, #tpu.memory_space<vmem>>, vector<16xf32>,
    %get3A_8 = arith.constant 21568 : index
    %get3A_9 = tpu.vector_load %arg7[%get3A_8] {strides = array<i32>} : memref<21632xf32, #tpu.memory_space<vmem>>, vector<16xf32>,
    %get3A_10 = arith.constant 21584 : index
    %get3A_11 = tpu.vector_load %arg7[%get3A_10] {strides = array<i32>} : memref<21632xf32, #tpu.memory_space<vmem>>, vector<16xf32>,
    %get3A_12 = arith.constant 21600 : index
    %get3A_13 = tpu.vector_load %arg7[%get3A_12] {strides = array<i32>} : memref<21632xf32, #tpu.memory_space<vmem>>, vector<16xf32>,
    %get3A_14 = arith.constant 21616 : index
    %get3A_15 = tpu.vector_load %arg7[%get3A_14] {strides = array<i32>} : memref<21632xf32, #tpu.memory_space<vmem>>, vector<16xf32>,
    %mul3A_16 = arith.constant 102400 : i32
    %mul3A_17 = arith.muli %add3A, %mul3A_16 : i32
    %add3A_18 = arith.constant 0 : i32
    %add3A_19 = arith.addi %mul3A_17, %add3A_18 : i32
    %dma_start3A = tpu.memref_slice %arg2[%add3A_19] : memref<3276800xi32, #tpu.memory_space<hbm>> -> memref<320xi32, #tpu.memory_space<hbm>>
    %dma_start3A_20 = tpu.memref_slice %arg2[%add3A_19] : memref<3276800xi32, #tpu.memory_space<hbm>> -> memref<320xi32, #tpu.memory_space<hbm>>
    tpu.enqueue_dma source(%dma_start3A_20 : memref<320xi32, #tpu.memory_space<hbm>>) target(%arg9 : memref<320xi32, #tpu.memory_space<vmem>>) target_semaphore(%arg17 : memref<!tpu.dma_semaphore, #tpu.memory_space<semaphore_mem>>)
    %dma_start3A_21 = tpu.memref_slice %arg3[%add3A_19] : memref<3276800xi32, #tpu.memory_space<hbm>> -> memref<320xi32, #tpu.memory_space<hbm>>
    %dma_start3A_22 = tpu.memref_slice %arg3[%add3A_19] : memref<3276800xi32, #tpu.memory_space<hbm>> -> memref<320xi32, #tpu.memory_space<hbm>>
    tpu.enqueue_dma source(%dma_start3A_22 : memref<320xi32, #tpu.memory_space<hbm>>) target(%arg11 : memref<320xi32, #tpu.memory_space<vmem>>) target_semaphore(%arg17 : memref<!tpu.dma_semaphore, #tpu.memory_space<semaphore_mem>>)
    %dma_start3A_23 = tpu.memref_slice %arg4[%add3A_19] : memref<3276800xf32, #tpu.memory_space<hbm>> -> memref<320xf32, #tpu.memory_space<hbm>>
    %dma_start3A_24 = tpu.memref_slice %arg4[%add3A_19] : memref<3276800xf32, #tpu.memory_space<hbm>> -> memref<320xf32, #tpu.memory_space<hbm>>
    tpu.enqueue_dma source(%dma_start3A_24 : memref<320xf32, #tpu.memory_space<hbm>>) target(%arg13 : memref<320xf32, #tpu.memory_space<vmem>>) target_semaphore(%arg17 : memref<!tpu.dma_semaphore, #tpu.memory_space<semaphore_mem>>)
    %scan3A = arith.constant 0 : i32
    %scan3A_25 = arith.constant 160 : i32
    %scan3A_26 = arith.addi %scan3A, %scan3A_25 : i32
    %scan3A_27 = arith.constant 1 : i32
    scf.for %scan3A_40 = %scan3A to %scan3A_26 step %scan3A_27  : i32 {
      %mul3A_41 = arith.constant 2 : i32
      %mul3A_42 = arith.muli %scan3A_40, %mul3A_41 : i32
      %add3A_43 = arith.constant 0 : i32
      %add3A_44 = arith.addi %add3A_43, %mul3A_42 : i32
      %add3A_45 = arith.constant 0 : i32
      %add3A_46 = arith.addi %add3A_44, %add3A_45 : i32
      %add3A_47 = arith.constant 1 : i32
      %add3A_48 = arith.addi %add3A_46, %add3A_47 : i32
      %lt3A = arith.constant 320 : i32
      %lt3A_49 = arith.cmpi slt, %add3A_48, %lt3A : i32
      %convert_element_type3A = arith.extui %lt3A_49 : i1 to i32
      %cond3A = arith.constant 0 : i32
      %cond3A_50 = arith.cmpi ne, %convert_element_type3A, %cond3A : i32
      scf.if %cond3A_50 {
        %add3A_112 = arith.constant 1 : i32
        %add3A_113 = arith.addi %add3A_46, %add3A_112 : i32
        %mul3A_114 = arith.constant 320 : i32
        %mul3A_115 = arith.muli %add3A_113, %mul3A_114 : i32
        %add3A_116 = arith.addi %mul3A_17, %mul3A_115 : i32
        %dma_start3A_117 = tpu.memref_slice %arg2[%add3A_116] : memref<3276800xi32, #tpu.memory_space<hbm>> -> memref<320xi32, #tpu.memory_space<hbm>>
        %dma_start3A_118 = tpu.memref_slice %arg2[%add3A_116] : memref<3276800xi32, #tpu.memory_space<hbm>> -> memref<320xi32, #tpu.memory_space<hbm>>
        tpu.enqueue_dma source(%dma_start3A_118 : memref<320xi32, #tpu.memory_space<hbm>>) target(%arg10 : memref<320xi32, #tpu.memory_space<vmem>>) target_semaphore(%arg18 : memref<!tpu.dma_semaphore, #tpu.memory_space<semaphore_mem>>)
        %dma_start3A_119 = tpu.memref_slice %arg3[%add3A_116] : memref<3276800xi32, #tpu.memory_space<hbm>> -> memref<320xi32, #tpu.memory_space<hbm>>
        %dma_start3A_120 = tpu.memref_slice %arg3[%add3A_116] : memref<3276800xi32, #tpu.memory_space<hbm>> -> memref<320xi32, #tpu.memory_space<hbm>>
        tpu.enqueue_dma source(%dma_start3A_120 : memref<320xi32, #tpu.memory_space<hbm>>) target(%arg12 : memref<320xi32, #tpu.memory_space<vmem>>) target_semaphore(%arg18 : memref<!tpu.dma_semaphore, #tpu.memory_space<semaphore_mem>>)
        %dma_start3A_121 = tpu.memref_slice %arg4[%add3A_116] : memref<3276800xf32, #tpu.memory_space<hbm>> -> memref<320xf32, #tpu.memory_space<hbm>>
        %dma_start3A_122 = tpu.memref_slice %arg4[%add3A_116] : memref<3276800xf32, #tpu.memory_space<hbm>> -> memref<320xf32, #tpu.memory_space<hbm>>
        tpu.enqueue_dma source(%dma_start3A_122 : memref<320xf32, #tpu.memory_space<hbm>>) target(%arg14 : memref<320xf32, #tpu.memory_space<vmem>>) target_semaphore(%arg18 : memref<!tpu.dma_semaphore, #tpu.memory_space<semaphore_mem>>)
      } else {
      }
      %mul3A_51 = arith.constant 320 : i32
      %mul3A_52 = arith.muli %add3A_46, %mul3A_51 : i32
      %add3A_53 = arith.addi %mul3A_17, %mul3A_52 : i32
      %dma_wait3A_54 = tpu.memref_slice %arg2[%add3A_53] : memref<3276800xi32, #tpu.memory_space<hbm>> -> memref<320xi32, #tpu.memory_space<hbm>>
      %dma_wait3A_55 = tpu.memref_slice %arg2[%add3A_53] : memref<3276800xi32, #tpu.memory_space<hbm>> -> memref<320xi32, #tpu.memory_space<hbm>>
      tpu.wait_dma2 semaphore(%arg17 : memref<!tpu.dma_semaphore, #tpu.memory_space<semaphore_mem>>) src(%dma_wait3A_55 : memref<320xi32, #tpu.memory_space<hbm>>) dst(%arg9 : memref<320xi32, #tpu.memory_space<vmem>>)
      %dma_wait3A_56 = tpu.memref_slice %arg3[%add3A_53] : memref<3276800xi32, #tpu.memory_space<hbm>> -> memref<320xi32, #tpu.memory_space<hbm>>
      %dma_wait3A_57 = tpu.memref_slice %arg3[%add3A_53] : memref<3276800xi32, #tpu.memory_space<hbm>> -> memref<320xi32, #tpu.memory_space<hbm>>
      tpu.wait_dma2 semaphore(%arg17 : memref<!tpu.dma_semaphore, #tpu.memory_space<semaphore_mem>>) src(%dma_wait3A_57 : memref<320xi32, #tpu.memory_space<hbm>>) dst(%arg11 : memref<320xi32, #tpu.memory_space<vmem>>)
      %dma_wait3A_58 = tpu.memref_slice %arg4[%add3A_53] : memref<3276800xf32, #tpu.memory_space<hbm>> -> memref<320xf32, #tpu.memory_space<hbm>>
      %dma_wait3A_59 = tpu.memref_slice %arg4[%add3A_53] : memref<3276800xf32, #tpu.memory_space<hbm>> -> memref<320xf32, #tpu.memory_space<hbm>>
      tpu.wait_dma2 semaphore(%arg17 : memref<!tpu.dma_semaphore, #tpu.memory_space<semaphore_mem>>) src(%dma_wait3A_59 : memref<320xf32, #tpu.memory_space<hbm>>) dst(%arg13 : memref<320xf32, #tpu.memory_space<vmem>>)
      %ge3A = arith.constant 2 : i32
      %ge3A_60 = arith.cmpi sge, %add3A_46, %ge3A : i32
      %convert_element_type3A_61 = arith.extui %ge3A_60 : i1 to i32
      %cond3A_62 = arith.constant 0 : i32
      %cond3A_63 = arith.cmpi ne, %convert_element_type3A_61, %cond3A_62 : i32
      scf.if %cond3A_63 {
        %sub3A = arith.constant 2 : i32
        %sub3A_112 = arith.subi %add3A_46, %sub3A : i32
        %mul3A_113 = arith.constant 320 : i32
        %mul3A_114 = arith.muli %sub3A_112, %mul3A_113 : i32
        %add3A_115 = arith.addi %mul3A_17, %mul3A_114 : i32
        %mul3A_116 = arith.constant 128 : i32
        %mul3A_117 = arith.muli %add3A_115, %mul3A_116 : i32
        %dma_wait3A_118 = tpu.memref_slice %arg6[%mul3A_117] : memref<419430400xf32, #tpu.memory_space<hbm>> -> memref<40960xf32, #tpu.memory_space<hbm>>
        %dma_wait3A_119 = tpu.memref_slice %arg6[%mul3A_117] : memref<419430400xf32, #tpu.memory_space<hbm>> -> memref<40960xf32, #tpu.memory_space<hbm>>
        tpu.wait_dma2 semaphore(%arg19 : memref<!tpu.dma_semaphore, #tpu.memory_space<semaphore_mem>>) src(%arg15 : memref<40960xf32, #tpu.memory_space<vmem>>) dst(%dma_wait3A_119 : memref<40960xf32, #tpu.memory_space<hbm>>)
      } else {
      }
      %parallel_loop3A = arith.constant 0 : i32
      %parallel_loop3A_64 = arith.constant 20 : i32
      %parallel_loop3A_65 = arith.constant 1 : i32
      scf.for %parallel_loop3A_112 = %parallel_loop3A to %parallel_loop3A_64 step %parallel_loop3A_65  : i32 {
        %parallel_loop3A_113 = arith.constant 16 : i32
        %parallel_loop3A_114 = arith.muli %parallel_loop3A_112, %parallel_loop3A_113 : i32
        %parallel_loop3A_115 = arith.index_cast %parallel_loop3A_114 : i32 to index
        %parallel_loop3A_116 = tpu.vector_load %arg9[%parallel_loop3A_115] {strides = array<i32>} : memref<320xi32, #tpu.memory_space<vmem>>, vector<16xi32>,
        %parallel_loop3A_117 = arith.index_cast %parallel_loop3A_114 : i32 to index
        %parallel_loop3A_118 = tpu.vector_load %arg11[%parallel_loop3A_117] {strides = array<i32>} : memref<320xi32, #tpu.memory_space<vmem>>, vector<16xi32>,
        %parallel_loop3A_119 = arith.constant 896 : i32
        %parallel_loop3A_120 = vector.broadcast %parallel_loop3A_119 : i32 to vector<16xi32>
        %parallel_loop3A_121 = arith.muli %parallel_loop3A_116, %parallel_loop3A_120 : vector<16xi32>
        %parallel_loop3A_122 = arith.constant 128 : i32
        %parallel_loop3A_123 = vector.broadcast %parallel_loop3A_122 : i32 to vector<16xi32>
        %parallel_loop3A_124 = arith.muli %parallel_loop3A_118, %parallel_loop3A_123 : vector<16xi32>
        %parallel_loop3A_125 = arith.addi %parallel_loop3A_121, %parallel_loop3A_124 : vector<16xi32>
        %parallel_loop3A_126 = arith.index_cast %parallel_loop3A_114 : i32 to index
        %parallel_loop3A_127 = tpu.vector_load %arg8[%parallel_loop3A_126] {strides = array<i32>} : memref<320xi32, #tpu.memory_space<vmem>>, vector<16xi32>,
        tpu.vector_store %arg8[%parallel_loop3A_126], %parallel_loop3A_125 {strides = array<i32>} : memref<320xi32, #tpu.memory_space<vmem>>, vector<16xi32>,
      } {sc.loop_unroll_factor = 4 : i64, sc.parallel_access}
      %parallel_loop3A_66 = arith.constant 0 : i32
      %parallel_loop3A_67 = arith.constant 320 : i32
      %parallel_loop3A_68 = arith.constant 1 : i32
      scf.for %parallel_loop3A_112 = %parallel_loop3A_66 to %parallel_loop3A_67 step %parallel_loop3A_68  : i32 {
        %parallel_loop3A_113 = vector.broadcast %parallel_loop3A_112 : i32 to vector<16xi32>
        %parallel_loop3A_114 = tpu.vector_load_idx %arg8[%parallel_loop3A_113] : memref<320xi32, #tpu.memory_space<vmem>>[vector<16xi32>], vector<16xi32>,
        %parallel_loop3A_115 = tpu.vector_load_idx %arg13[%parallel_loop3A_113] : memref<320xf32, #tpu.memory_space<vmem>>[vector<16xi32>], vector<16xf32>,
        %parallel_loop3A_116 = arith.addi %parallel_loop3A_114, %iota3A : vector<16xi32>
        %parallel_loop3A_117 = arith.constant 128 : i32
        %parallel_loop3A_118 = arith.muli %parallel_loop3A_112, %parallel_loop3A_117 : i32
        %parallel_loop3A_119 = arith.constant 0 : i32
        %parallel_loop3A_120 = vector.broadcast %parallel_loop3A_119 : i32 to vector<16xi32>
        %parallel_loop3A_121 = arith.addi %parallel_loop3A_116, %parallel_loop3A_120 : vector<16xi32>
        %parallel_loop3A_122 = tpu.vector_load_idx %arg7[%parallel_loop3A_121] : memref<21632xf32, #tpu.memory_space<vmem>>[vector<16xi32>], vector<16xf32>,
        %parallel_loop3A_123 = arith.mulf %parallel_loop3A_115, %get3A_1 : vector<16xf32>
        %parallel_loop3A_124 = arith.addf %parallel_loop3A_122, %parallel_loop3A_123 : vector<16xf32>
        %parallel_loop3A_125 = arith.constant 0 : i32
        %parallel_loop3A_126 = arith.addi %parallel_loop3A_118, %parallel_loop3A_125 : i32
        %parallel_loop3A_127 = arith.index_cast %parallel_loop3A_126 : i32 to index
        %parallel_loop3A_128 = tpu.vector_load %arg15[%parallel_loop3A_127] {strides = array<i32>} : memref<40960xf32, #tpu.memory_space<vmem>>, vector<16xf32>,
        tpu.vector_store %arg15[%parallel_loop3A_127], %parallel_loop3A_124 {strides = array<i32>} : memref<40960xf32, #tpu.memory_space<vmem>>, vector<16xf32>,
        %parallel_loop3A_129 = arith.constant 16 : i32
        %parallel_loop3A_130 = vector.broadcast %parallel_loop3A_129 : i32 to vector<16xi32>
        %parallel_loop3A_131 = arith.addi %parallel_loop3A_116, %parallel_loop3A_130 : vector<16xi32>
        %parallel_loop3A_132 = tpu.vector_load_idx %arg7[%parallel_loop3A_131] : memref<21632xf32, #tpu.memory_space<vmem>>[vector<16xi32>], vector<16xf32>,
        %parallel_loop3A_133 = arith.mulf %parallel_loop3A_115, %get3A_3 : vector<16xf32>
        %parallel_loop3A_134 = arith.addf %parallel_loop3A_132, %parallel_loop3A_133 : vector<16xf32>
        %parallel_loop3A_135 = arith.constant 16 : i32
        %parallel_loop3A_136 = arith.addi %parallel_loop3A_118, %parallel_loop3A_135 : i32
        %parallel_loop3A_137 = arith.index_cast %parallel_loop3A_136 : i32 to index
        %parallel_loop3A_138 = tpu.vector_load %arg15[%parallel_loop3A_137] {strides = array<i32>} : memref<40960xf32, #tpu.memory_space<vmem>>, vector<16xf32>,
        tpu.vector_store %arg15[%parallel_loop3A_137], %parallel_loop3A_134 {strides = array<i32>} : memref<40960xf32, #tpu.memory_space<vmem>>, vector<16xf32>,
        %parallel_loop3A_139 = arith.constant 32 : i32
        %parallel_loop3A_140 = vector.broadcast %parallel_loop3A_139 : i32 to vector<16xi32>
        %parallel_loop3A_141 = arith.addi %parallel_loop3A_116, %parallel_loop3A_140 : vector<16xi32>
        %parallel_loop3A_142 = tpu.vector_load_idx %arg7[%parallel_loop3A_141] : memref<21632xf32, #tpu.memory_space<vmem>>[vector<16xi32>], vector<16xf32>,
        %parallel_loop3A_143 = arith.mulf %parallel_loop3A_115, %get3A_5 : vector<16xf32>
        %parallel_loop3A_144 = arith.addf %parallel_loop3A_142, %parallel_loop3A_143 : vector<16xf32>
        %parallel_loop3A_145 = arith.constant 32 : i32
        %parallel_loop3A_146 = arith.addi %parallel_loop3A_118, %parallel_loop3A_145 : i32
        %parallel_loop3A_147 = arith.index_cast %parallel_loop3A_146 : i32 to index
        %parallel_loop3A_148 = tpu.vector_load %arg15[%parallel_loop3A_147] {strides = array<i32>} : memref<40960xf32, #tpu.memory_space<vmem>>, vector<16xf32>,
        tpu.vector_store %arg15[%parallel_loop3A_147], %parallel_loop3A_144 {strides = array<i32>} : memref<40960xf32, #tpu.memory_space<vmem>>, vector<16xf32>,
        %parallel_loop3A_149 = arith.constant 48 : i32
        %parallel_loop3A_150 = vector.broadcast %parallel_loop3A_149 : i32 to vector<16xi32>
        %parallel_loop3A_151 = arith.addi %parallel_loop3A_116, %parallel_loop3A_150 : vector<16xi32>
        %parallel_loop3A_152 = tpu.vector_load_idx %arg7[%parallel_loop3A_151] : memref<21632xf32, #tpu.memory_space<vmem>>[vector<16xi32>], vector<16xf32>,
        %parallel_loop3A_153 = arith.mulf %parallel_loop3A_115, %get3A_7 : vector<16xf32>
        %parallel_loop3A_154 = arith.addf %parallel_loop3A_152, %parallel_loop3A_153 : vector<16xf32>
        %parallel_loop3A_155 = arith.constant 48 : i32
        %parallel_loop3A_156 = arith.addi %parallel_loop3A_118, %parallel_loop3A_155 : i32
        %parallel_loop3A_157 = arith.index_cast %parallel_loop3A_156 : i32 to index
        %parallel_loop3A_158 = tpu.vector_load %arg15[%parallel_loop3A_157] {strides = array<i32>} : memref<40960xf32, #tpu.memory_space<vmem>>, vector<16xf32>,
        tpu.vector_store %arg15[%parallel_loop3A_157], %parallel_loop3A_154 {strides = array<i32>} : memref<40960xf32, #tpu.memory_space<vmem>>, vector<16xf32>,
        %parallel_loop3A_159 = arith.constant 64 : i32
        %parallel_loop3A_160 = vector.broadcast %parallel_loop3A_159 : i32 to vector<16xi32>
        %parallel_loop3A_161 = arith.addi %parallel_loop3A_116, %parallel_loop3A_160 : vector<16xi32>
        %parallel_loop3A_162 = tpu.vector_load_idx %arg7[%parallel_loop3A_161] : memref<21632xf32, #tpu.memory_space<vmem>>[vector<16xi32>], vector<16xf32>,
        %parallel_loop3A_163 = arith.mulf %parallel_loop3A_115, %get3A_9 : vector<16xf32>
        %parallel_loop3A_164 = arith.addf %parallel_loop3A_162, %parallel_loop3A_163 : vector<16xf32>
        %parallel_loop3A_165 = arith.constant 64 : i32
        %parallel_loop3A_166 = arith.addi %parallel_loop3A_118, %parallel_loop3A_165 : i32
        %parallel_loop3A_167 = arith.index_cast %parallel_loop3A_166 : i32 to index
        %parallel_loop3A_168 = tpu.vector_load %arg15[%parallel_loop3A_167] {strides = array<i32>} : memref<40960xf32, #tpu.memory_space<vmem>>, vector<16xf32>,
        tpu.vector_store %arg15[%parallel_loop3A_167], %parallel_loop3A_164 {strides = array<i32>} : memref<40960xf32, #tpu.memory_space<vmem>>, vector<16xf32>,
        %parallel_loop3A_169 = arith.constant 80 : i32
        %parallel_loop3A_170 = vector.broadcast %parallel_loop3A_169 : i32 to vector<16xi32>
        %parallel_loop3A_171 = arith.addi %parallel_loop3A_116, %parallel_loop3A_170 : vector<16xi32>
        %parallel_loop3A_172 = tpu.vector_load_idx %arg7[%parallel_loop3A_171] : memref<21632xf32, #tpu.memory_space<vmem>>[vector<16xi32>], vector<16xf32>,
        %parallel_loop3A_173 = arith.mulf %parallel_loop3A_115, %get3A_11 : vector<16xf32>
        %parallel_loop3A_174 = arith.addf %parallel_loop3A_172, %parallel_loop3A_173 : vector<16xf32>
        %parallel_loop3A_175 = arith.constant 80 : i32
        %parallel_loop3A_176 = arith.addi %parallel_loop3A_118, %parallel_loop3A_175 : i32
        %parallel_loop3A_177 = arith.index_cast %parallel_loop3A_176 : i32 to index
        %parallel_loop3A_178 = tpu.vector_load %arg15[%parallel_loop3A_177] {strides = array<i32>} : memref<40960xf32, #tpu.memory_space<vmem>>, vector<16xf32>,
        tpu.vector_store %arg15[%parallel_loop3A_177], %parallel_loop3A_174 {strides = array<i32>} : memref<40960xf32, #tpu.memory_space<vmem>>, vector<16xf32>,
        %parallel_loop3A_179 = arith.constant 96 : i32
        %parallel_loop3A_180 = vector.broadcast %parallel_loop3A_179 : i32 to vector<16xi32>
        %parallel_loop3A_181 = arith.addi %parallel_loop3A_116, %parallel_loop3A_180 : vector<16xi32>
        %parallel_loop3A_182 = tpu.vector_load_idx %arg7[%parallel_loop3A_181] : memref<21632xf32, #tpu.memory_space<vmem>>[vector<16xi32>], vector<16xf32>,
        %parallel_loop3A_183 = arith.mulf %parallel_loop3A_115, %get3A_13 : vector<16xf32>
        %parallel_loop3A_184 = arith.addf %parallel_loop3A_182, %parallel_loop3A_183 : vector<16xf32>
        %parallel_loop3A_185 = arith.constant 96 : i32
        %parallel_loop3A_186 = arith.addi %parallel_loop3A_118, %parallel_loop3A_185 : i32
        %parallel_loop3A_187 = arith.index_cast %parallel_loop3A_186 : i32 to index
        %parallel_loop3A_188 = tpu.vector_load %arg15[%parallel_loop3A_187] {strides = array<i32>} : memref<40960xf32, #tpu.memory_space<vmem>>, vector<16xf32>,
        tpu.vector_store %arg15[%parallel_loop3A_187], %parallel_loop3A_184 {strides = array<i32>} : memref<40960xf32, #tpu.memory_space<vmem>>, vector<16xf32>,
        %parallel_loop3A_189 = arith.constant 112 : i32
        %parallel_loop3A_190 = vector.broadcast %parallel_loop3A_189 : i32 to vector<16xi32>
        %parallel_loop3A_191 = arith.addi %parallel_loop3A_116, %parallel_loop3A_190 : vector<16xi32>
        %parallel_loop3A_192 = tpu.vector_load_idx %arg7[%parallel_loop3A_191] : memref<21632xf32, #tpu.memory_space<vmem>>[vector<16xi32>], vector<16xf32>,
        %parallel_loop3A_193 = arith.mulf %parallel_loop3A_115, %get3A_15 : vector<16xf32>
        %parallel_loop3A_194 = arith.addf %parallel_loop3A_192, %parallel_loop3A_193 : vector<16xf32>
        %parallel_loop3A_195 = arith.constant 112 : i32
        %parallel_loop3A_196 = arith.addi %parallel_loop3A_118, %parallel_loop3A_195 : i32
        %parallel_loop3A_197 = arith.index_cast %parallel_loop3A_196 : i32 to index
        %parallel_loop3A_198 = tpu.vector_load %arg15[%parallel_loop3A_197] {strides = array<i32>} : memref<40960xf32, #tpu.memory_space<vmem>>, vector<16xf32>,
        tpu.vector_store %arg15[%parallel_loop3A_197], %parallel_loop3A_194 {strides = array<i32>} : memref<40960xf32, #tpu.memory_space<vmem>>, vector<16xf32>,
      } {sc.loop_unroll_factor = 4 : i64, sc.parallel_access}
      %mul3A_69 = arith.constant 320 : i32
      %mul3A_70 = arith.muli %add3A_46, %mul3A_69 : i32
      %add3A_71 = arith.addi %mul3A_17, %mul3A_70 : i32
      %mul3A_72 = arith.constant 128 : i32
      %mul3A_73 = arith.muli %add3A_71, %mul3A_72 : i32
      %dma_start3A_74 = tpu.memref_slice %arg6[%mul3A_73] : memref<419430400xf32, #tpu.memory_space<hbm>> -> memref<40960xf32, #tpu.memory_space<hbm>>
      %dma_start3A_75 = tpu.memref_slice %arg6[%mul3A_73] : memref<419430400xf32, #tpu.memory_space<hbm>> -> memref<40960xf32, #tpu.memory_space<hbm>>
      tpu.enqueue_dma source(%arg15 : memref<40960xf32, #tpu.memory_space<vmem>>) target(%dma_start3A_75 : memref<40960xf32, #tpu.memory_space<hbm>>) target_semaphore(%arg19 : memref<!tpu.dma_semaphore, #tpu.memory_space<semaphore_mem>>)
      %add3A_76 = arith.constant 1 : i32
      %add3A_77 = arith.addi %add3A_44, %add3A_76 : i32
      %add3A_78 = arith.constant 1 : i32
      %add3A_79 = arith.addi %add3A_77, %add3A_78 : i32
      %lt3A_80 = arith.constant 320 : i32
      %lt3A_81 = arith.cmpi slt, %add3A_79, %lt3A_80 : i32
      %convert_element_type3A_82 = arith.extui %lt3A_81 : i1 to i32
      %cond3A_83 = arith.constant 0 : i32
      %cond3A_84 = arith.cmpi ne, %convert_element_type3A_82, %cond3A_83 : i32
      scf.if %cond3A_84 {
        %add3A_112 = arith.constant 1 : i32
        %add3A_113 = arith.addi %add3A_77, %add3A_112 : i32
        %mul3A_114 = arith.constant 320 : i32
        %mul3A_115 = arith.muli %add3A_113, %mul3A_114 : i32
        %add3A_116 = arith.addi %mul3A_17, %mul3A_115 : i32
        %dma_start3A_117 = tpu.memref_slice %arg2[%add3A_116] : memref<3276800xi32, #tpu.memory_space<hbm>> -> memref<320xi32, #tpu.memory_space<hbm>>
        %dma_start3A_118 = tpu.memref_slice %arg2[%add3A_116] : memref<3276800xi32, #tpu.memory_space<hbm>> -> memref<320xi32, #tpu.memory_space<hbm>>
        tpu.enqueue_dma source(%dma_start3A_118 : memref<320xi32, #tpu.memory_space<hbm>>) target(%arg9 : memref<320xi32, #tpu.memory_space<vmem>>) target_semaphore(%arg17 : memref<!tpu.dma_semaphore, #tpu.memory_space<semaphore_mem>>)
        %dma_start3A_119 = tpu.memref_slice %arg3[%add3A_116] : memref<3276800xi32, #tpu.memory_space<hbm>> -> memref<320xi32, #tpu.memory_space<hbm>>
        %dma_start3A_120 = tpu.memref_slice %arg3[%add3A_116] : memref<3276800xi32, #tpu.memory_space<hbm>> -> memref<320xi32, #tpu.memory_space<hbm>>
        tpu.enqueue_dma source(%dma_start3A_120 : memref<320xi32, #tpu.memory_space<hbm>>) target(%arg11 : memref<320xi32, #tpu.memory_space<vmem>>) target_semaphore(%arg17 : memref<!tpu.dma_semaphore, #tpu.memory_space<semaphore_mem>>)
        %dma_start3A_121 = tpu.memref_slice %arg4[%add3A_116] : memref<3276800xf32, #tpu.memory_space<hbm>> -> memref<320xf32, #tpu.memory_space<hbm>>
        %dma_start3A_122 = tpu.memref_slice %arg4[%add3A_116] : memref<3276800xf32, #tpu.memory_space<hbm>> -> memref<320xf32, #tpu.memory_space<hbm>>
        tpu.enqueue_dma source(%dma_start3A_122 : memref<320xf32, #tpu.memory_space<hbm>>) target(%arg13 : memref<320xf32, #tpu.memory_space<vmem>>) target_semaphore(%arg17 : memref<!tpu.dma_semaphore, #tpu.memory_space<semaphore_mem>>)
      } else {
      }
      %mul3A_85 = arith.constant 320 : i32
      %mul3A_86 = arith.muli %add3A_77, %mul3A_85 : i32
      %add3A_87 = arith.addi %mul3A_17, %mul3A_86 : i32
      %dma_wait3A_88 = tpu.memref_slice %arg2[%add3A_87] : memref<3276800xi32, #tpu.memory_space<hbm>> -> memref<320xi32, #tpu.memory_space<hbm>>
      %dma_wait3A_89 = tpu.memref_slice %arg2[%add3A_87] : memref<3276800xi32, #tpu.memory_space<hbm>> -> memref<320xi32, #tpu.memory_space<hbm>>
      tpu.wait_dma2 semaphore(%arg18 : memref<!tpu.dma_semaphore, #tpu.memory_space<semaphore_mem>>) src(%dma_wait3A_89 : memref<320xi32, #tpu.memory_space<hbm>>) dst(%arg10 : memref<320xi32, #tpu.memory_space<vmem>>)
      %dma_wait3A_90 = tpu.memref_slice %arg3[%add3A_87] : memref<3276800xi32, #tpu.memory_space<hbm>> -> memref<320xi32, #tpu.memory_space<hbm>>
      %dma_wait3A_91 = tpu.memref_slice %arg3[%add3A_87] : memref<3276800xi32, #tpu.memory_space<hbm>> -> memref<320xi32, #tpu.memory_space<hbm>>
      tpu.wait_dma2 semaphore(%arg18 : memref<!tpu.dma_semaphore, #tpu.memory_space<semaphore_mem>>) src(%dma_wait3A_91 : memref<320xi32, #tpu.memory_space<hbm>>) dst(%arg12 : memref<320xi32, #tpu.memory_space<vmem>>)
      %dma_wait3A_92 = tpu.memref_slice %arg4[%add3A_87] : memref<3276800xf32, #tpu.memory_space<hbm>> -> memref<320xf32, #tpu.memory_space<hbm>>
      %dma_wait3A_93 = tpu.memref_slice %arg4[%add3A_87] : memref<3276800xf32, #tpu.memory_space<hbm>> -> memref<320xf32, #tpu.memory_space<hbm>>
      tpu.wait_dma2 semaphore(%arg18 : memref<!tpu.dma_semaphore, #tpu.memory_space<semaphore_mem>>) src(%dma_wait3A_93 : memref<320xf32, #tpu.memory_space<hbm>>) dst(%arg14 : memref<320xf32, #tpu.memory_space<vmem>>)
      %ge3A_94 = arith.constant 2 : i32
      %ge3A_95 = arith.cmpi sge, %add3A_77, %ge3A_94 : i32
      %convert_element_type3A_96 = arith.extui %ge3A_95 : i1 to i32
      %cond3A_97 = arith.constant 0 : i32
      %cond3A_98 = arith.cmpi ne, %convert_element_type3A_96, %cond3A_97 : i32
      scf.if %cond3A_98 {
        %sub3A = arith.constant 2 : i32
        %sub3A_112 = arith.subi %add3A_77, %sub3A : i32
        %mul3A_113 = arith.constant 320 : i32
        %mul3A_114 = arith.muli %sub3A_112, %mul3A_113 : i32
        %add3A_115 = arith.addi %mul3A_17, %mul3A_114 : i32
        %mul3A_116 = arith.constant 128 : i32
        %mul3A_117 = arith.muli %add3A_115, %mul3A_116 : i32
        %dma_wait3A_118 = tpu.memref_slice %arg6[%mul3A_117] : memref<419430400xf32, #tpu.memory_space<hbm>> -> memref<40960xf32, #tpu.memory_space<hbm>>
        %dma_wait3A_119 = tpu.memref_slice %arg6[%mul3A_117] : memref<419430400xf32, #tpu.memory_space<hbm>> -> memref<40960xf32, #tpu.memory_space<hbm>>
        tpu.wait_dma2 semaphore(%arg20 : memref<!tpu.dma_semaphore, #tpu.memory_space<semaphore_mem>>) src(%arg16 : memref<40960xf32, #tpu.memory_space<vmem>>) dst(%dma_wait3A_119 : memref<40960xf32, #tpu.memory_space<hbm>>)
      } else {
      }
      %parallel_loop3A_99 = arith.constant 0 : i32
      %parallel_loop3A_100 = arith.constant 20 : i32
      %parallel_loop3A_101 = arith.constant 1 : i32
      scf.for %parallel_loop3A_112 = %parallel_loop3A_99 to %parallel_loop3A_100 step %parallel_loop3A_101  : i32 {
        %parallel_loop3A_113 = arith.constant 16 : i32
        %parallel_loop3A_114 = arith.muli %parallel_loop3A_112, %parallel_loop3A_113 : i32
        %parallel_loop3A_115 = arith.index_cast %parallel_loop3A_114 : i32 to index
        %parallel_loop3A_116 = tpu.vector_load %arg10[%parallel_loop3A_115] {strides = array<i32>} : memref<320xi32, #tpu.memory_space<vmem>>, vector<16xi32>,
        %parallel_loop3A_117 = arith.index_cast %parallel_loop3A_114 : i32 to index
        %parallel_loop3A_118 = tpu.vector_load %arg12[%parallel_loop3A_117] {strides = array<i32>} : memref<320xi32, #tpu.memory_space<vmem>>, vector<16xi32>,
        %parallel_loop3A_119 = arith.constant 896 : i32
        %parallel_loop3A_120 = vector.broadcast %parallel_loop3A_119 : i32 to vector<16xi32>
        %parallel_loop3A_121 = arith.muli %parallel_loop3A_116, %parallel_loop3A_120 : vector<16xi32>
        %parallel_loop3A_122 = arith.constant 128 : i32
        %parallel_loop3A_123 = vector.broadcast %parallel_loop3A_122 : i32 to vector<16xi32>
        %parallel_loop3A_124 = arith.muli %parallel_loop3A_118, %parallel_loop3A_123 : vector<16xi32>
        %parallel_loop3A_125 = arith.addi %parallel_loop3A_121, %parallel_loop3A_124 : vector<16xi32>
        %parallel_loop3A_126 = arith.index_cast %parallel_loop3A_114 : i32 to index
        %parallel_loop3A_127 = tpu.vector_load %arg8[%parallel_loop3A_126] {strides = array<i32>} : memref<320xi32, #tpu.memory_space<vmem>>, vector<16xi32>,
        tpu.vector_store %arg8[%parallel_loop3A_126], %parallel_loop3A_125 {strides = array<i32>} : memref<320xi32, #tpu.memory_space<vmem>>, vector<16xi32>,
      } {sc.loop_unroll_factor = 4 : i64, sc.parallel_access}
      %parallel_loop3A_102 = arith.constant 0 : i32
      %parallel_loop3A_103 = arith.constant 320 : i32
      %parallel_loop3A_104 = arith.constant 1 : i32
      scf.for %parallel_loop3A_112 = %parallel_loop3A_102 to %parallel_loop3A_103 step %parallel_loop3A_104  : i32 {
        %parallel_loop3A_113 = vector.broadcast %parallel_loop3A_112 : i32 to vector<16xi32>
        %parallel_loop3A_114 = tpu.vector_load_idx %arg8[%parallel_loop3A_113] : memref<320xi32, #tpu.memory_space<vmem>>[vector<16xi32>], vector<16xi32>,
        %parallel_loop3A_115 = tpu.vector_load_idx %arg14[%parallel_loop3A_113] : memref<320xf32, #tpu.memory_space<vmem>>[vector<16xi32>], vector<16xf32>,
        %parallel_loop3A_116 = arith.addi %parallel_loop3A_114, %iota3A : vector<16xi32>
        %parallel_loop3A_117 = arith.constant 128 : i32
        %parallel_loop3A_118 = arith.muli %parallel_loop3A_112, %parallel_loop3A_117 : i32
        %parallel_loop3A_119 = arith.constant 0 : i32
        %parallel_loop3A_120 = vector.broadcast %parallel_loop3A_119 : i32 to vector<16xi32>
        %parallel_loop3A_121 = arith.addi %parallel_loop3A_116, %parallel_loop3A_120 : vector<16xi32>
        %parallel_loop3A_122 = tpu.vector_load_idx %arg7[%parallel_loop3A_121] : memref<21632xf32, #tpu.memory_space<vmem>>[vector<16xi32>], vector<16xf32>,
        %parallel_loop3A_123 = arith.mulf %parallel_loop3A_115, %get3A_1 : vector<16xf32>
        %parallel_loop3A_124 = arith.addf %parallel_loop3A_122, %parallel_loop3A_123 : vector<16xf32>
        %parallel_loop3A_125 = arith.constant 0 : i32
        %parallel_loop3A_126 = arith.addi %parallel_loop3A_118, %parallel_loop3A_125 : i32
        %parallel_loop3A_127 = arith.index_cast %parallel_loop3A_126 : i32 to index
        %parallel_loop3A_128 = tpu.vector_load %arg16[%parallel_loop3A_127] {strides = array<i32>} : memref<40960xf32, #tpu.memory_space<vmem>>, vector<16xf32>,
        tpu.vector_store %arg16[%parallel_loop3A_127], %parallel_loop3A_124 {strides = array<i32>} : memref<40960xf32, #tpu.memory_space<vmem>>, vector<16xf32>,
        %parallel_loop3A_129 = arith.constant 16 : i32
        %parallel_loop3A_130 = vector.broadcast %parallel_loop3A_129 : i32 to vector<16xi32>
        %parallel_loop3A_131 = arith.addi %parallel_loop3A_116, %parallel_loop3A_130 : vector<16xi32>
        %parallel_loop3A_132 = tpu.vector_load_idx %arg7[%parallel_loop3A_131] : memref<21632xf32, #tpu.memory_space<vmem>>[vector<16xi32>], vector<16xf32>,
        %parallel_loop3A_133 = arith.mulf %parallel_loop3A_115, %get3A_3 : vector<16xf32>
        %parallel_loop3A_134 = arith.addf %parallel_loop3A_132, %parallel_loop3A_133 : vector<16xf32>
        %parallel_loop3A_135 = arith.constant 16 : i32
        %parallel_loop3A_136 = arith.addi %parallel_loop3A_118, %parallel_loop3A_135 : i32
        %parallel_loop3A_137 = arith.index_cast %parallel_loop3A_136 : i32 to index
        %parallel_loop3A_138 = tpu.vector_load %arg16[%parallel_loop3A_137] {strides = array<i32>} : memref<40960xf32, #tpu.memory_space<vmem>>, vector<16xf32>,
        tpu.vector_store %arg16[%parallel_loop3A_137], %parallel_loop3A_134 {strides = array<i32>} : memref<40960xf32, #tpu.memory_space<vmem>>, vector<16xf32>,
        %parallel_loop3A_139 = arith.constant 32 : i32
        %parallel_loop3A_140 = vector.broadcast %parallel_loop3A_139 : i32 to vector<16xi32>
        %parallel_loop3A_141 = arith.addi %parallel_loop3A_116, %parallel_loop3A_140 : vector<16xi32>
        %parallel_loop3A_142 = tpu.vector_load_idx %arg7[%parallel_loop3A_141] : memref<21632xf32, #tpu.memory_space<vmem>>[vector<16xi32>], vector<16xf32>,
        %parallel_loop3A_143 = arith.mulf %parallel_loop3A_115, %get3A_5 : vector<16xf32>
        %parallel_loop3A_144 = arith.addf %parallel_loop3A_142, %parallel_loop3A_143 : vector<16xf32>
        %parallel_loop3A_145 = arith.constant 32 : i32
        %parallel_loop3A_146 = arith.addi %parallel_loop3A_118, %parallel_loop3A_145 : i32
        %parallel_loop3A_147 = arith.index_cast %parallel_loop3A_146 : i32 to index
        %parallel_loop3A_148 = tpu.vector_load %arg16[%parallel_loop3A_147] {strides = array<i32>} : memref<40960xf32, #tpu.memory_space<vmem>>, vector<16xf32>,
        tpu.vector_store %arg16[%parallel_loop3A_147], %parallel_loop3A_144 {strides = array<i32>} : memref<40960xf32, #tpu.memory_space<vmem>>, vector<16xf32>,
        %parallel_loop3A_149 = arith.constant 48 : i32
        %parallel_loop3A_150 = vector.broadcast %parallel_loop3A_149 : i32 to vector<16xi32>
        %parallel_loop3A_151 = arith.addi %parallel_loop3A_116, %parallel_loop3A_150 : vector<16xi32>
        %parallel_loop3A_152 = tpu.vector_load_idx %arg7[%parallel_loop3A_151] : memref<21632xf32, #tpu.memory_space<vmem>>[vector<16xi32>], vector<16xf32>,
        %parallel_loop3A_153 = arith.mulf %parallel_loop3A_115, %get3A_7 : vector<16xf32>
        %parallel_loop3A_154 = arith.addf %parallel_loop3A_152, %parallel_loop3A_153 : vector<16xf32>
        %parallel_loop3A_155 = arith.constant 48 : i32
        %parallel_loop3A_156 = arith.addi %parallel_loop3A_118, %parallel_loop3A_155 : i32
        %parallel_loop3A_157 = arith.index_cast %parallel_loop3A_156 : i32 to index
        %parallel_loop3A_158 = tpu.vector_load %arg16[%parallel_loop3A_157] {strides = array<i32>} : memref<40960xf32, #tpu.memory_space<vmem>>, vector<16xf32>,
        tpu.vector_store %arg16[%parallel_loop3A_157], %parallel_loop3A_154 {strides = array<i32>} : memref<40960xf32, #tpu.memory_space<vmem>>, vector<16xf32>,
        %parallel_loop3A_159 = arith.constant 64 : i32
        %parallel_loop3A_160 = vector.broadcast %parallel_loop3A_159 : i32 to vector<16xi32>
        %parallel_loop3A_161 = arith.addi %parallel_loop3A_116, %parallel_loop3A_160 : vector<16xi32>
        %parallel_loop3A_162 = tpu.vector_load_idx %arg7[%parallel_loop3A_161] : memref<21632xf32, #tpu.memory_space<vmem>>[vector<16xi32>], vector<16xf32>,
        %parallel_loop3A_163 = arith.mulf %parallel_loop3A_115, %get3A_9 : vector<16xf32>
        %parallel_loop3A_164 = arith.addf %parallel_loop3A_162, %parallel_loop3A_163 : vector<16xf32>
        %parallel_loop3A_165 = arith.constant 64 : i32
        %parallel_loop3A_166 = arith.addi %parallel_loop3A_118, %parallel_loop3A_165 : i32
        %parallel_loop3A_167 = arith.index_cast %parallel_loop3A_166 : i32 to index
        %parallel_loop3A_168 = tpu.vector_load %arg16[%parallel_loop3A_167] {strides = array<i32>} : memref<40960xf32, #tpu.memory_space<vmem>>, vector<16xf32>,
        tpu.vector_store %arg16[%parallel_loop3A_167], %parallel_loop3A_164 {strides = array<i32>} : memref<40960xf32, #tpu.memory_space<vmem>>, vector<16xf32>,
        %parallel_loop3A_169 = arith.constant 80 : i32
        %parallel_loop3A_170 = vector.broadcast %parallel_loop3A_169 : i32 to vector<16xi32>
        %parallel_loop3A_171 = arith.addi %parallel_loop3A_116, %parallel_loop3A_170 : vector<16xi32>
        %parallel_loop3A_172 = tpu.vector_load_idx %arg7[%parallel_loop3A_171] : memref<21632xf32, #tpu.memory_space<vmem>>[vector<16xi32>], vector<16xf32>,
        %parallel_loop3A_173 = arith.mulf %parallel_loop3A_115, %get3A_11 : vector<16xf32>
        %parallel_loop3A_174 = arith.addf %parallel_loop3A_172, %parallel_loop3A_173 : vector<16xf32>
        %parallel_loop3A_175 = arith.constant 80 : i32
        %parallel_loop3A_176 = arith.addi %parallel_loop3A_118, %parallel_loop3A_175 : i32
        %parallel_loop3A_177 = arith.index_cast %parallel_loop3A_176 : i32 to index
        %parallel_loop3A_178 = tpu.vector_load %arg16[%parallel_loop3A_177] {strides = array<i32>} : memref<40960xf32, #tpu.memory_space<vmem>>, vector<16xf32>,
        tpu.vector_store %arg16[%parallel_loop3A_177], %parallel_loop3A_174 {strides = array<i32>} : memref<40960xf32, #tpu.memory_space<vmem>>, vector<16xf32>,
        %parallel_loop3A_179 = arith.constant 96 : i32
        %parallel_loop3A_180 = vector.broadcast %parallel_loop3A_179 : i32 to vector<16xi32>
        %parallel_loop3A_181 = arith.addi %parallel_loop3A_116, %parallel_loop3A_180 : vector<16xi32>
        %parallel_loop3A_182 = tpu.vector_load_idx %arg7[%parallel_loop3A_181] : memref<21632xf32, #tpu.memory_space<vmem>>[vector<16xi32>], vector<16xf32>,
        %parallel_loop3A_183 = arith.mulf %parallel_loop3A_115, %get3A_13 : vector<16xf32>
        %parallel_loop3A_184 = arith.addf %parallel_loop3A_182, %parallel_loop3A_183 : vector<16xf32>
        %parallel_loop3A_185 = arith.constant 96 : i32
        %parallel_loop3A_186 = arith.addi %parallel_loop3A_118, %parallel_loop3A_185 : i32
        %parallel_loop3A_187 = arith.index_cast %parallel_loop3A_186 : i32 to index
        %parallel_loop3A_188 = tpu.vector_load %arg16[%parallel_loop3A_187] {strides = array<i32>} : memref<40960xf32, #tpu.memory_space<vmem>>, vector<16xf32>,
        tpu.vector_store %arg16[%parallel_loop3A_187], %parallel_loop3A_184 {strides = array<i32>} : memref<40960xf32, #tpu.memory_space<vmem>>, vector<16xf32>,
        %parallel_loop3A_189 = arith.constant 112 : i32
        %parallel_loop3A_190 = vector.broadcast %parallel_loop3A_189 : i32 to vector<16xi32>
        %parallel_loop3A_191 = arith.addi %parallel_loop3A_116, %parallel_loop3A_190 : vector<16xi32>
        %parallel_loop3A_192 = tpu.vector_load_idx %arg7[%parallel_loop3A_191] : memref<21632xf32, #tpu.memory_space<vmem>>[vector<16xi32>], vector<16xf32>,
        %parallel_loop3A_193 = arith.mulf %parallel_loop3A_115, %get3A_15 : vector<16xf32>
        %parallel_loop3A_194 = arith.addf %parallel_loop3A_192, %parallel_loop3A_193 : vector<16xf32>
        %parallel_loop3A_195 = arith.constant 112 : i32
        %parallel_loop3A_196 = arith.addi %parallel_loop3A_118, %parallel_loop3A_195 : i32
        %parallel_loop3A_197 = arith.index_cast %parallel_loop3A_196 : i32 to index
        %parallel_loop3A_198 = tpu.vector_load %arg16[%parallel_loop3A_197] {strides = array<i32>} : memref<40960xf32, #tpu.memory_space<vmem>>, vector<16xf32>,
        tpu.vector_store %arg16[%parallel_loop3A_197], %parallel_loop3A_194 {strides = array<i32>} : memref<40960xf32, #tpu.memory_space<vmem>>, vector<16xf32>,
      } {sc.loop_unroll_factor = 4 : i64, sc.parallel_access}
      %mul3A_105 = arith.constant 320 : i32
      %mul3A_106 = arith.muli %add3A_77, %mul3A_105 : i32
      %add3A_107 = arith.addi %mul3A_17, %mul3A_106 : i32
      %mul3A_108 = arith.constant 128 : i32
      %mul3A_109 = arith.muli %add3A_107, %mul3A_108 : i32
      %dma_start3A_110 = tpu.memref_slice %arg6[%mul3A_109] : memref<419430400xf32, #tpu.memory_space<hbm>> -> memref<40960xf32, #tpu.memory_space<hbm>>
      %dma_start3A_111 = tpu.memref_slice %arg6[%mul3A_109] : memref<419430400xf32, #tpu.memory_space<hbm>> -> memref<40960xf32, #tpu.memory_space<hbm>>
      tpu.enqueue_dma source(%arg16 : memref<40960xf32, #tpu.memory_space<vmem>>) target(%dma_start3A_111 : memref<40960xf32, #tpu.memory_space<hbm>>) target_semaphore(%arg20 : memref<!tpu.dma_semaphore, #tpu.memory_space<semaphore_mem>>)
    }
    %scan3A_28 = arith.constant 160 : i32
    %add3A_29 = arith.constant 101760 : i32
    %add3A_30 = arith.addi %mul3A_17, %add3A_29 : i32
    %mul3A_31 = arith.constant 128 : i32
    %mul3A_32 = arith.muli %add3A_30, %mul3A_31 : i32
    %dma_wait3A = tpu.memref_slice %arg6[%mul3A_32] : memref<419430400xf32, #tpu.memory_space<hbm>> -> memref<40960xf32, #tpu.memory_space<hbm>>
    %dma_wait3A_33 = tpu.memref_slice %arg6[%mul3A_32] : memref<419430400xf32, #tpu.memory_space<hbm>> -> memref<40960xf32, #tpu.memory_space<hbm>>
    tpu.wait_dma2 semaphore(%arg19 : memref<!tpu.dma_semaphore, #tpu.memory_space<semaphore_mem>>) src(%arg15 : memref<40960xf32, #tpu.memory_space<vmem>>) dst(%dma_wait3A_33 : memref<40960xf32, #tpu.memory_space<hbm>>)
    %add3A_34 = arith.constant 102080 : i32
    %add3A_35 = arith.addi %mul3A_17, %add3A_34 : i32
    %mul3A_36 = arith.constant 128 : i32
    %mul3A_37 = arith.muli %add3A_35, %mul3A_36 : i32
    %dma_wait3A_38 = tpu.memref_slice %arg6[%mul3A_37] : memref<419430400xf32, #tpu.memory_space<hbm>> -> memref<40960xf32, #tpu.memory_space<hbm>>
    %dma_wait3A_39 = tpu.memref_slice %arg6[%mul3A_37] : memref<419430400xf32, #tpu.memory_space<hbm>> -> memref<40960xf32, #tpu.memory_space<hbm>>
    tpu.wait_dma2 semaphore(%arg20 : memref<!tpu.dma_semaphore, #tpu.memory_space<semaphore_mem>>) src(%arg16 : memref<40960xf32, #tpu.memory_space<vmem>>) dst(%dma_wait3A_39 : memref<40960xf32, #tpu.memory_space<hbm>>)
    return
  }
}

</mosaic_0001>

<sc_bundles>
// kernel: kernel.3.cloned.1.call-start
scs
__scs_entry_jumppad:
0x0: {  	(pc) =	sbr.rel $0x88, $3  }
0x1: {  	(tag) =	ssettag $0x0;
	lr =	simm.s32 $0x1  }
0x2: {  	[smem:$0x3F9A] =	sst lr;
	_ =	strace $0xD0000000  }
0x3: {  	_ = 	snop  }
0x4: {  	_ = 	snop  }
0x5: {  	_ = 	snop  }
0x6: {  	_ = 	snop  }
0x7: {  	_ = 	snop  }
__scs_overlays_trampoline_lowered:
0x8: {  	[smem:$0x3FA9] =	sst s0  }
0x9: {  	[smem:$0x3FAA] =	sst s1  }
0xa: {  	[smem:$0x3FAB] =	sst s2  }
0xb: {  	[smem:$0x3FAC] =	sst s3  }
0xc: {  	[smem:$0x3FAD] =	sst s4  }
0xd: {  	[smem:$0x3FAE] =	sst s5  }
0xe: {  	[smem:$0x3FAF] =	sst s6  }
0xf: {  	[smem:$0x3FB0] =	sst s7  }
0x10: {  	[smem:$0x3FB1] =	sst s8  }
0x11: {  	[smem:$0x3FB2] =	sst s9;
	s0 =	simm.s32 @!p0 $0x0  }
0x12: {  	s1 =	sld [smem:$0x3F98];
	s0 =	simm.s32 @p0 $0x1  }
0x13: {  	[smem:$0x3FB3] =	sst s0;
	s0 =	simm.s32 @!p1 $0x0  }
0x14: {  	s2 =	sld [smem:$0x3F97];
	s0 =	simm.s32 @p1 $0x1  }
0x15: {  	[smem:$0x3FB4] =	sst s0;
	s0 =	simm.s32 @!p2 $0x0  }
0x16: {  	s3 =	sld [smem:$0x3FDB];
	s0 =	simm.s32 @p2 $0x1  }
0x17: {  	s4 =	simm.s32 $0x1BF5;
	[smem:$0x3FB6] =	sst s0  }
0x18: {  	s0 =	sld [smem:$0x3F99];
	_ =	swait.ge [sflag:s4], $0x0  }
0x19: {  	s7 =	sld [smem:$0x3F9A]  }
0x1a: {  	s8 =	sadd.s32 $0xFFFFE003, lr  }
0x1b: {  	s9 =	sadd.s32 $0xFFFFFEF7, lr;
	s5 =	simm.s32 $0xFFFFFFFF;
	p2 =	slt.u32 s8, $0xFFFFF086  }
0x1c: {  	p1 =	slt.u32 s9, $0xF7A;
	s5 =	simm.s32 @!p2 $0x0  }
0x1d: {  	s5 =	simm.s32 @p1 $0x1;
	p0 =	seq.s32 s7, s2  }
0x1e: {  	s7 =	smul.u32 @!p0 $0xF7A, s2;
	p2 =	seq.s32 @!p0 s5, $0x0  }
0x1f: {  	s9 =	smul.u32 $0xF7A, s1;
	s8 =	simm.s32 @!p0 $0x1BF5;
	p2 =	por !p2, p0  }
0x20: {  	[sflag:s8] =	ssyncset.s32 @!p0 $0xFFFFF086;
	s6 =	sadd.s32 @!p0 s3, s7;
	s7 =	simm.s32 @!p0 $0x108  }
0x21: {  	s3 =	sadd.s32 s3, s9;
	s6 =	sadd.s32 @!p0 $0x88, s6;
	s7 =	simm.s32 @p2 $0x1082  }
0x22: {  	[simem:s7], [sflag:s8] =	dma.local @!p0 [hbm:s6], $0xF7A  }
0x23: {  	s9 =	sor.u32 $0xD0000000, s2;
	s6 =	simm.s32 $0x108;
	_ =	swait.ge @!p0 [sflag:s8], $0x0  }
0x24: {  	s3 =	sadd.s32 $0x88, s3;
	s6 =	simm.s32 @!p1 $0x1082;
	[sflag:s4] =	ssyncset.s32 $0xFFFFF086  }
0x25: {  	[simem:s6], [sflag:s4] =	dma.local [hbm:s3], $0xF7A  }
0x26: {  	[smem:$0x3F9A] =	sst s1;
	(tag) =	ssettag s2;
	_ =	strace s9  }
0x27: {  	s1 =	sld [smem:$0x3FAA]  }
0x28: {  	s2 =	sld [smem:$0x3FAB]  }
0x29: {  	s4 =	sld [smem:$0x3FAD]  }
0x2a: {  	p0 =	seq.s32 s5, $0x0;
	s5 =	sld [smem:$0x3FAE]  }
0x2b: {  	s6 =	sld [smem:$0x3FAF]  }
0x2c: {  	s7 =	sld [smem:$0x3FB0]  }
0x2d: {  	s3 =	simm.s32 $0x108;
	s8 =	sld [smem:$0x3FB1]  }
0x2e: {  	s3 =	simm.s32 @!p0 $0x1082;
	s9 =	sld [smem:$0x3FB2]  }
0x2f: {  	lr =	sadd.s32 s0, s3;
	s0 =	sld [smem:$0x3FA9]  }
0x30: {  	s3 =	sld [smem:$0x3FAC]  }
0x31: {  	[smem:$0x3FB5] =	sst s10  }
0x32: {  	s10 =	sld [smem:$0x3FB3];
	_ =	sdelay $0x3  }
0x33: {  	p0 =	seq.s32 s10, $0x1;
	s10 =	sld [smem:$0x3FB5];
	_ =	sdelay $0x3  }
0x34: {  	[smem:$0x3FB5] =	sst s10  }
0x35: {  	s10 =	sld [smem:$0x3FB4];
	_ =	sdelay $0x3  }
0x36: {  	p1 =	seq.s32 s10, $0x1;
	s10 =	sld [smem:$0x3FB5];
	_ =	sdelay $0x3  }
0x37: {  	[smem:$0x3FB5] =	sst s10  }
0x38: {  	s10 =	sld [smem:$0x3FB6]  }
0x39: {  	_ = 	snop;
	(pc) =	sbr.ind lr, $3  }
0x3a: {  	_ = 	snop  }
0x3b: {  	_ = 	snop  }
0x3c: {  	p2 =	seq.s32 s10, $0x1;
	s10 =	sld [smem:$0x3FB5]  }
0x3d: {  	_ =	shalt  }
0x3e: {  	_ =	shalt  }
0x3f: {  	_ =	shalt  }
0x40: {  	_ =	shalt  }
0x41: {  	_ =	shalt  }
0x42: {  	_ =	shalt  }
0x43: {  	_ =	shalt  }
0x44: {  	_ =	shalt  }
0x45: {  	_ =	shalt  }
0x46: {  	_ =	shalt  }
0x47: {  	_ =	shalt  }
0x48: {  	_ =	shalt  }
0x49: {  	_ =	shalt  }
0x4a: {  	_ =	shalt  }
0x4b: {  	_ =	shalt  }
0x4c: {  	_ =	shalt  }
0x4d: {  	_ =	shalt  }
0x4e: {  	_ =	shalt  }
0x4f: {  	_ =	shalt  }
0x50: {  	_ =	shalt  }
0x51: {  	_ =	shalt  }
0x52: {  	_ =	shalt  }
0x53: {  	_ =	shalt  }
0x54: {  	_ =	shalt  }
0x55: {  	_ =	shalt  }
0x56: {  	_ =	shalt  }
0x57: {  	_ =	shalt  }
0x58: {  	_ =	shalt  }
0x59: {  	_ =	shalt  }
0x5a: {  	_ =	shalt  }
0x5b: {  	_ =	shalt  }
0x5c: {  	_ =	shalt  }
0x5d: {  	_ =	shalt  }
0x5e: {  	_ =	shalt  }
0x5f: {  	_ =	shalt  }
0x60: {  	_ =	shalt  }
0x61: {  	_ =	shalt  }
0x62: {  	_ =	shalt  }
0x63: {  	_ =	shalt  }
0x64: {  	_ =	shalt  }
0x65: {  	_ =	shalt  }
0x66: {  	_ =	shalt  }
0x67: {  	_ =	shalt  }
0x68: {  	_ =	shalt  }
0x69: {  	_ =	shalt  }
0x6a: {  	_ =	shalt  }
0x6b: {  	_ =	shalt  }
0x6c: {  	_ =	shalt  }
0x6d: {  	_ =	shalt  }
0x6e: {  	_ =	shalt  }
0x6f: {  	_ =	shalt  }
0x70: {  	_ =	shalt  }
0x71: {  	_ =	shalt  }
0x72: {  	_ =	shalt  }
0x73: {  	_ =	shalt  }
0x74: {  	_ =	shalt  }
0x75: {  	_ =	shalt  }
0x76: {  	_ =	shalt  }
0x77: {  	_ =	shalt  }
0x78: {  	_ =	shalt  }
0x79: {  	_ =	shalt  }
0x7a: {  	_ =	shalt  }
0x7b: {  	_ =	shalt  }
0x7c: {  	_ =	shalt  }
0x7d: {  	_ =	shalt  }
0x7e: {  	_ =	shalt  }
0x7f: {  	_ =	shalt  }
0x80: {  	_ =	shalt  }
0x81: {  	_ =	shalt  }
0x82: {  	_ =	shalt  }
0x83: {  	_ =	shalt  }
0x84: {  	_ =	shalt  }
0x85: {  	_ =	shalt  }
0x86: {  	_ =	shalt  }
0x87: {  	_ =	shalt  }
.Lfunc_end0:
.L_simem_size_0:
called_computation_lowered:
.L_overlay_start_0:
0x88: {  	s2 =	sld [smem:$0x3FD9]  }
0x89: {  	s3 =	sld [smem:$0x3FFE];
	_ =	sdelay $0x1  }
0x8a: {  	s1 =	srdreg.scid  }
0x8b: {  	s0 =	sand.u32 $0x1, s1  }
0x8c: {  	s17 =	sshll.u32 s0, $0xA;
	s2 =	sadd.s32 s3, s2  }
0x8d: {  	s2 =	sadd.s32 s2, s17  }
0x8e: {  	[smem:$0x3FC1] =	sst s2  }
0x8f: {  	_ = 	snop  }
0x90: {  	s2 =	sld [smem:$0x3FD0];
	(tm) =	ssettm $0x1  }
0x91: {  	s18 =	sld [smem:$0x3FFB];
	_ =	sdelay $0x3  }
0x92: {  	_ =	strace s18  }
0x93: {  	s3 =	sld [smem:$0x3FFC];
	_ =	sdelay $0x3  }
0x94: {  	_ =	strace s3  }
0x95: {  	s3 =	sld [smem:$0x3FFD];
	_ =	sdelay $0x3  }
0x96: {  	_ =	strace s3  }
0x97: {  	_ =	strace $0x8FFFFFFF  }
0x98: {  	s19 =	sld [smem:$0x3FDB];
	_ =	sdelay $0x1  }
0x99: {  	s4 =	simm.s32 $_scs_section_size  }
0x9a: {  	s5 =	simm.s32 $_size__tile_overlayer_lowered;
	s6 =	simm.s32 $_tile_overlayer_lowered  }
0x9b: {  	s22 =	simm.s32 $0x1BFF;
	s21 =	sshll.u32 s6, $0x1;
	s3 =	sadd.s32 s4, s19  }
0x9c: {  	s7 =	simm.s32 $0x0;
	s20 =	sshll.u32 s5, $0x1;
	s5 =	sadd.s32 s21, s3  }
0x9d: {  	[timem:s7], [sflag:s22] =	dma.local [hbm:s5], s20  }
0x9e: {  	_ =	swait.ge [sflag:s22], s20  }
0x9f: {  	s4 =	ssub.s32 $0x0, s20;
	[sflag:s22] =	ssyncset.done $0x0  }
0xa0: {  	[sflag:s22] =	ssyncadd.s32 s4;
	_ =	sdelay $0x1  }
0xa1: {  	s23 =	simm.s32 $0x1B8B  }
0xa2: {  	_ =	swait.ge [sflag:s23], $0x1  }
0xa3: {  	[sflag:s23] =	ssyncset.done $0x0  }
0xa4: {  	s25 =	simm.s32 $0x1B8E;
	s24 =	sld [smem:$0x3FFE];
	[sflag:s23] =	ssyncadd.s32 $0xFFFFFFFF  }
0xa5: {  	s26 =	simm.s32 $execute0_lowered;
	[smem:$0x3FD2] =	sst s25  }
0xa6: {  	s5 =	sshll.u32 s26, $0x1;
	_ =	strace $0x80000046;
	[dreg:$0x1] =	wrdreg $0xFFFFFFFF  }
0xa7: {  	s28 =	simm.s32 $_size_execute0_lowered;
	s3 =	sadd.s32 s3, s5;
	[dreg:$0x0] =	wrdreg $0x0  }
0xa8: {  	s5 =	sshll.u32 s28, $0x1;
	[dreg:$0x2] =	wrdreg s3  }
0xa9: {  	[dreg:$0x3] =	wrdreg s5  }
0xaa: {  	[dreg:$0x4] =	wrdreg $0xC0  }
0xab: {  	_ =	task [dreg:s7], $0x5FFFF  }
0xac: {  	[dreg:$0x1] =	wrdreg $0xFFFFFFFF  }
0xad: {  	[dreg:$0x0] =	wrdreg $0x60  }
0xae: {  	[dreg:$0x2] =	wrdreg s24  }
0xaf: {  	[dreg:$0x3] =	wrdreg s2  }
0xb0: {  	[dreg:$0x4] =	wrdreg $0x9  }
0xb1: {  	_ =	task.clear_ibuf [dreg:s7], $0x5FFFF;
	_ =	strace $0x90000046  }
0xb2: {  	s29 =	simm.s32 $0x9;
	_ =	strace $0x80000048  }
0xb3: {  	_ =	swait.ge [sflag:s29], $0x1  }
0xb4: {  	[sflag:s29] =	ssyncadd.s32 $0xFFFFFFFF  }
0xb5: {  	_ =	strace $0x90000048  }
0xb6: {  	_ =	sfence  }
0xb7: {  	s30 =	sld [smem:$0x0];
	_ =	sdelay $0x2  }
0xb8: {  	s31 =	sshll.u32 s1, $0xD;
	s1 =	sshrl.u32 s1, $0x2  }
0xb9: {  	s3 =	sand.u32 $0x4000, s31;
	s1 =	sadd.s32 s1, s30  }
0xba: {  	s0 =	sor.u32 s3, s0;
	s1 =	sshll.u32 s1, $0x11  }
0xbb: {  	s0 =	sor.u32 s1, s0  }
0xbc: {  	s0 =	sadd.s32 $0x8F2B, s0  }
0xbd: {  	[sflag:s0] =	ssyncadd.remote.s32 $0x1  }
0xbe: {  	_ =	sfence.sel $0xFFFF  }
0xbf: {  	[dreg:$0x0] =	wrdreg $0xFFFFFFFF;
	(pc) =	sbr.abs _section_cstart, $3  }
0xc0: {  	[dreg:$0x1] =	wrdreg $0xFFFFFFFF  }
0xc1: {  	_ =	task.clear_ibuf [dreg:s7], $0x2FFFF;
	_ =	strace $0x9FFFFFFF  }
0xc2: {  	(tm) =	ssettm $0x7FFFFFFF  }
0xc3: {  	_ =	shalt  }
tec
execute0_lowered:
.L_overlay_start_1:
0x0: {  	(tag) =	ssettag $0x1  }
0x1: {  	s0 =	rddreg [dreg:$0x0]  }
0x2: {  	s2 =	rddreg [dreg:$0x1];
	s3 =	simm.s32 $0x0  }
0x3: {  	s1 =	srdreg.scid;
	s4 =	stileid.u32;
	s15 =	simm.s32 $0x5  }
0x4: {  	s18 =	simm.s32 $0x5C00;
	s19 =	simm.s32 $0x5780;
	s20 =	simm.s32 $0x5A80  }
0x5: {  	s21 =	simm.s32 $0x5D80;
	s22 =	simm.s32 $0x1;
	s23 =	simm.s32 $0x5480  }
0x6: {  	s28 =	simm.s32 $0x3;
	s29 =	simm.s32 $0x4;
	s30 =	simm.s32 $0x0  }
0x7: {  	[smem:$0x7FF] =	sst s3;
	s1 =	sand.u32 $0x1, s1;
	s4 =	sshll.u32 s4, $0x1  }
0x8: {  	s6 =	sadd.s32 $0x65800, s0;
	s7 =	sadd.s32 $0xC9800, s0;
	s5 =	sor.u32 s1, s4  }
0x9: {  	_ =	strace $0x80000047;
	s1 =	ssub.s32 $0x2, s1;
	s5 =	smul.u32 $0x19000, s5  }
0xa: {  	s4 =	sadd.s32 $0x1800, s0;
	s0 =	sadd.s32 $0x12D800, s0;
	s8 =	sshrl.u32 s1, $0x1  }
0xb: {  	[dreg:$0x3] =	wrdreg s0;
	s24 =	ssub.s32 s1, s8;
	s25 =	sshrl.u32 s5, $0x3  }
0xc: {  	v0 =	vlaneseq.u32;
	s12 =	sor.u32 $0x140, s5;
	s13 =	sor.u32 $0x280, s5;
	s26 =	sadd.s32 s4, s25  }
0xd: {  	v1 =	vor.u32 $0x10, v0;
	s14 =	smax.u32 s24, $0x1;
	s31 =	sadd.s32 s6, s25;
	[dreg:$0x4] =	wrdreg s26  }
0xe: {  	v2 =	vor.u32 $0x20, v0;
	v3 =	vor.u32 $0x30, v0;
	v4 =	vor.u32 $0x40, v0;
	s24 =	simm.s32 $0x5F00;
	s1 =	sadd.s32 s7, s25;
	[dreg:$0x5] =	wrdreg s31  }
0xf: {  	v5 =	vor.u32 $0x50, v0;
	v6 =	vor.u32 $0x60, v0;
	v7 =	vor.u32 $0x70, v0;
	s25 =	simm.s32 $0x2;
	[dreg:$0x6] =	wrdreg s1;
	s26 =	simm.s32 $0xFF00  }
.LBB2_1:
0x10: {  	s0 =	rddreg [dreg:$0x3]  }
0x11: {  	[tilespmem:s3], [sflag:$0x5] =	stream.linear.gather [hbm4b:s0+s3], $0x5480, $0x38;
	[tilespmem:$0x19F00] =	vst v63  }
0x12: {  	_ =	swait.ge [sflag:s15], $0x5480  }
0x13: {  	[sflag:s15] =	ssyncset.done $0x0  }
0x14: {  	[sflag:s15] =	ssyncadd.s32 $0xFFFFAB80  }
0x15: {  	v8 =	vld [tilespmem:$0x5400]  }
0x16: {  	v9 =	vld [tilespmem:$0x5410]  }
0x17: {  	v10 =	vld [tilespmem:$0x5420]  }
0x18: {  	v11 =	vld [tilespmem:$0x5430]  }
0x19: {  	v12 =	vld [tilespmem:$0x5440]  }
0x1a: {  	v13 =	vld [tilespmem:$0x5450]  }
0x1b: {  	s1 =	simm.s32 $0x5600;
	s10 =	rddreg [dreg:$0x4];
	v14 =	vld [tilespmem:$0x5460]  }
0x1c: {  	v15 =	vld [tilespmem:$0x5470];
	[tilespmem:s1], [sflag:$0x1] =	stream.linear.gather [hbm4b:s10+s3], $0x140, $0x38  }
0x1d: {  	s16 =	simm.s32 $0x5900;
	s11 =	rddreg [dreg:$0x5]  }
0x1e: {  	[tilespmem:s16], [sflag:$0x1] =	stream.linear.gather [hbm4b:s11+s3], $0x140, $0x38;
	[tilespmem:$0x19F00] =	vst v63  }
0x1f: {  	s31 =	simm.s32 $0x0;
	s17 =	rddreg [dreg:$0x6]  }
0x20: {  	[tilespmem:s18], [sflag:$0x1] =	stream.linear.gather [hbm4b:s17+s3], $0x140, $0x38;
	[tilespmem:$0x19F00] =	vst v63  }
.LBB2_2:
0x21: {  	s1 =	smul.u32 $0x280, s31;
	_ =	sdelay $0x1  }
0x22: {  	s0 =	sadd.s32 s1, s12  }
0x23: {  	s8 =	sshrl.u32 s0, $0x3  }
0x24: {  	s9 =	sadd.s32 s4, s8  }
0x25: {  	[tilespmem:s19], [sflag:$0x2] =	stream.linear.gather [hbm4b:s9+s3], $0x140, $0x38;
	[tilespmem:$0x19F00] =	vst v63  }
0x26: {  	s16 =	sadd.s32 s6, s8  }
0x27: {  	[tilespmem:s20], [sflag:$0x2] =	stream.linear.gather [hbm4b:s16+s3], $0x140, $0x38;
	[tilespmem:$0x19F00] =	vst v63  }
0x28: {  	s8 =	sadd.s32 s7, s8  }
0x29: {  	[tilespmem:s21], [sflag:$0x2] =	stream.linear.gather [hbm4b:s8+s3], $0x140, $0x38;
	[tilespmem:$0x19F00] =	vst v63  }
0x2a: {  	_ =	swait.ge [sflag:s22], $0x140  }
0x2b: {  	[sflag:s22] =	ssyncset.done $0x0  }
0x2c: {  	[sflag:s22] =	ssyncadd.s32 $0xFFFFFEC0  }
0x2d: {  	_ =	swait.ge [sflag:s22], $0x140  }
0x2e: {  	[sflag:s22] =	ssyncset.done $0x0  }
0x2f: {  	[sflag:s22] =	ssyncadd.s32 $0xFFFFFEC0  }
0x30: {  	_ =	swait.ge [sflag:s22], $0x140  }
0x31: {  	p0 =	seq.s32 s31, $0x0;
	[sflag:s22] =	ssyncset.done $0x0  }
0x32: {  	s8 =	simm.s32 @!p0 $0x3;
	[sflag:s22] =	ssyncadd.s32 $0xFFFFFEC0  }
0x33: {  	_ =	swait.ge @!p0 [sflag:s8], $0xA000  }
0x34: {  	[sflag:s8] =	ssyncset.done @!p0 $0x0  }
0x35: {  	s17 =	simm.s32 $0x5620;
	[sflag:s8] =	ssyncadd.s32 @!p0 $0xFFFF6000  }
0x36: {  	s9 =	simm.s32 $0x5920;
	v16 =	vld [tilespmem:s17+$0x10]  }
0x37: {  	v17 =	vld [tilespmem:s9+$0x10]  }
0x38: {  	v22 =	vld [tilespmem:s17+$0xFFFFFFF0]  }
0x39: {  	v21 =	vld [tilespmem:s17+$0x0]  }
0x3a: {  	v20 =	vld [tilespmem:s17+$0xFFFFFFE0]  }
0x3b: {  	v19 =	vld [tilespmem:s9+$0xFFFFFFE0];
	v23 =	vmul.u32 $0x380, v16  }
0x3c: {  	s10 =	simm.s32 $0x0;
	s11 =	simm.s32 $0x5660;
	v18 =	vld [tilespmem:s9+$0xFFFFFFF0];
	v24 =	vshll.u32 v17, $0x7  }
0x3d: {  	s16 =	sadd.s32 s5, s1;
	s8 =	simm.s32 $0x54A0;
	s17 =	simm.s32 $0x6000;
	v16 =	vmul.u32 $0x380, v22;
	v17 =	vld [tilespmem:s9+$0x0];
	v22 =	vadd.s32 v23, v24  }
.LBB2_3:
0x3e: {  	v23 =	vld [tilespmem:s11+$0x10];
	s10 =	sadd.s32 $0x4, s10;
	v24 =	vmul.u32 $0x380, v21;
	[tilespmem:s8+$0x10] =	vst v22;
	s9 =	sadd.s32 $0x40, s9  }
0x3f: {  	v22 =	vld [tilespmem:s9+$0x10];
	p1 =	slt.u32 s10, $0x10;
	v20 =	vmul.u32 $0x380, v20  }
0x40: {  	v25 =	vld [tilespmem:s11+$0xFFFFFFF0];
	v19 =	vshll.u32 v19, $0x7  }
.Ltmp0:
0x41: {  	v21 =	vld [tilespmem:s11+$0x0];
	v19 =	vadd.s32 v20, v19;
	v18 =	vshll.u32 v18, $0x7;
	(pc) =	sbr.rel @p1 .LBB2_3-.Ltmp0, $4  }
0x42: {  	v20 =	vld [tilespmem:s11+$0xFFFFFFE0];
	[tilespmem:s8+$0xFFFFFFE0] =	vst v19;
	v16 =	vadd.s32 v16, v18;
	v17 =	vshll.u32 v17, $0x7  }
0x43: {  	v19 =	vld [tilespmem:s9+$0xFFFFFFE0];
	v23 =	vmul.u32 $0x380, v23;
	[tilespmem:s8+$0xFFFFFFF0] =	vst v16;
	v16 =	vadd.s32 v24, v17  }
0x44: {  	v18 =	vld [tilespmem:s9+$0xFFFFFFF0];
	v22 =	vshll.u32 v22, $0x7;
	[tilespmem:s8+$0x0] =	vst v16  }
0x45: {  	s11 =	sadd.s32 $0x40, s11;
	s8 =	sadd.s32 $0x40, s8;
	v16 =	vmul.u32 $0x380, v25;
	v17 =	vld [tilespmem:s9+$0x0];
	v22 =	vadd.s32 v23, v22  }
0x46: {  	s9 =	simm.s32 $0x2;
	v21 =	vmul.u32 $0x380, v21;
	s11 =	simm.s32 $0x1  }
0x47: {  	v23 =	vmov s9;
	v20 =	vmul.u32 $0x380, v20;
	v24 =	vmov s11  }
0x48: {  	s10 =	simm.s32 $0x0;
	v23 =	vand.u32 $0xFFFFFFFE, v23;
	v19 =	vshll.u32 v19, $0x7;
	v24 =	vand.u32 $0xFFFFFFFD, v24  }
0x49: {  	v23 =	vbroadcast v23, $0x0;
	v19 =	vadd.s32 v20, v19;
	v20 =	vmov s10  }
0x4a: {  	[tilespmem:s8+$0x10] =	vst v22;
	v18 =	vshll.u32 v18, $0x7;
	v22 =	vbroadcast v24, $0x0;
	v20 =	vand.u32 $0xFFFFFFFC, v20  }
0x4b: {  	v16 =	vadd.s32 v16, v18;
	v17 =	vshll.u32 v17, $0x7;
	v18 =	vbroadcast v20, $0x0  }
0x4c: {  	s11 =	simm.s32 $0x3;
	[tilespmem:s8+$0xFFFFFFF0] =	vst v16;
	v16 =	vadd.s32 v21, v17  }
0x4d: {  	[tilespmem:s8+$0x0] =	vst v16;
	v16 =	vmov s11  }
0x4e: {  	[tilespmem:s8+$0xFFFFFFE0] =	vst v19  }
0x4f: {  	v32 =	vld.idx.msk [tilespmem:v23+s23+$0x0], $0xffff  }
0x50: {  	v31 =	vld.idx.msk [tilespmem:v22+s23+$0x0], $0xffff  }
0x51: {  	v28 =	vld.idx.msk [tilespmem:v18+s23+$0x0], $0xffff  }
0x52: {  	v25 =	vld.idx.msk [tilespmem:v16+s23+$0x0], $0xffff;
	_ =	sdelay $0x1  }
0x53: {  	v17 =	vadd.s32 v0, v32  }
0x54: {  	v24 =	vld.idx.msk [tilespmem:v16+s18+$0x0], $0xffff;
	v16 =	vadd.s32 v0, v31  }
0x55: {  	v30 =	vld.idx.msk [tilespmem:v23+s18+$0x0], $0xffff;
	v19 =	vadd.s32 v0, v28  }
0x56: {  	v27 =	vld.idx.msk [tilespmem:v22+s18+$0x0], $0xffff;
	v20 =	vadd.s32 v0, v25  }
0x57: {  	v26 =	vld.idx.msk [tilespmem:v18+s18+$0x0], $0xffff  }
0x58: {  	v17 =	vld.idx.msk [tilespmem:v17+s3+$0x0], $0xffff  }
0x59: {  	v16 =	vld.idx.msk [tilespmem:v16+s3+$0x0], $0xffff  }
0x5a: {  	v18 =	vld.idx.msk [tilespmem:v19+s3+$0x0], $0xffff  }
0x5b: {  	v21 =	vadd.s32 v1, v32;
	v19 =	vmul.f32 v30, v8;
	v20 =	vld.idx.msk [tilespmem:v20+s3+$0x0], $0xffff  }
0x5c: {  	v22 =	vmul.f32 v27, v8;
	v23 =	vadd.s32 v1, v31  }
0x5d: {  	v29 =	vadd.s32 v1, v28;
	v17 =	vadd.f32 v19, v17;
	v19 =	vmul.f32 v26, v8  }
0x5e: {  	v33 =	vmul.f32 v24, v8;
	v34 =	vadd.s32 v1, v25;
	v16 =	vadd.f32 v22, v16  }
0x5f: {  	[tilespmem:s17+$0x0] =	vst v17;
	v17 =	vadd.f32 v19, v18  }
0x60: {  	[tilespmem:s17+$0xFFFFFF80] =	vst v16;
	v16 =	vadd.f32 v33, v20;
	v18 =	vld.idx.msk [tilespmem:v21+s3+$0x0], $0xffff  }
0x61: {  	[tilespmem:s17+$0xFFFFFF00] =	vst v17;
	v17 =	vld.idx.msk [tilespmem:v23+s3+$0x0], $0xffff  }
0x62: {  	[tilespmem:s17+$0x80] =	vst v16;
	v19 =	vld.idx.msk [tilespmem:v29+s3+$0x0], $0xffff  }
0x63: {  	v20 =	vadd.s32 v2, v32;
	v16 =	vmul.f32 v30, v9;
	v21 =	vld.idx.msk [tilespmem:v34+s3+$0x0], $0xffff  }
0x64: {  	v22 =	vmul.f32 v27, v9  }
0x65: {  	v23 =	vadd.s32 v2, v31;
	v16 =	vadd.f32 v18, v16;
	v18 =	vmul.f32 v26, v9  }
0x66: {  	s10 =	simm.s32 $0x4;
	v58 =	vmul.f32 v24, v9;
	v29 =	vadd.s32 v2, v28;
	v17 =	vadd.f32 v17, v22  }
0x67: {  	s11 =	simm.s32 $0x7;
	v22 =	vmov s10;
	[tilespmem:s17+$0x10] =	vst v16;
	v16 =	vadd.s32 v2, v25;
	v18 =	vadd.f32 v19, v18  }
0x68: {  	v19 =	vld.idx.msk [tilespmem:v20+s3+$0x0], $0xffff;
	v20 =	vmov s11;
	[tilespmem:s17+$0xFFFFFF90] =	vst v17;
	v17 =	vadd.f32 v21, v58;
	v21 =	vand.u32 $0xFFFFFFFC, v22  }
0x69: {  	v21 =	vbroadcast v21, $0x0  }
0x6a: {  	v36 =	vmul.f32 v27, v10;
	[tilespmem:s17+$0xFFFFFF10] =	vst v18;
	v22 =	vld.idx.msk [tilespmem:v23+s3+$0x0], $0xffff  }
0x6b: {  	v37 =	vadd.s32 v3, v31;
	v23 =	vld.idx.msk [tilespmem:v29+s3+$0x0], $0xffff;
	[tilespmem:s17+$0x90] =	vst v17;
	v17 =	vmul.f32 v30, v10  }
0x6c: {  	v59 =	vmul.f32 v24, v10;
	v60 =	vmul.f32 v26, v10;
	s11 =	simm.s32 $0x6;
	v29 =	vadd.s32 v3, v32;
	v35 =	vld.idx.msk [tilespmem:v16+s3+$0x0], $0xffff  }
0x6d: {  	v39 =	vadd.s32 v3, v28;
	s10 =	simm.s32 $0x5;
	v38 =	vmov s11;
	v17 =	vadd.f32 v19, v17;
	v16 =	vld.idx.msk [tilespmem:v20+s18+$0x0], $0xffff  }
0x6e: {  	v61 =	vadd.s32 v3, v25;
	v19 =	vmov s10;
	v18 =	vld.idx.msk [tilespmem:v20+s23+$0x0], $0xffff;
	v20 =	vand.u32 $0xFFFFFFFE, v38  }
0x6f: {  	v22 =	vadd.f32 v22, v36;
	v19 =	vand.u32 $0xFFFFFFFD, v19;
	v20 =	vbroadcast v20, $0x0;
	[tilespmem:s17+$0x20] =	vst v17;
	v17 =	vld.idx.msk [tilespmem:v21+s18+$0x0], $0xffff  }
0x70: {  	v23 =	vadd.f32 v23, v60;
	v62 =	vbroadcast v19, $0x0;
	v21 =	vld.idx.msk [tilespmem:v21+s23+$0x0], $0xffff  }
0x71: {  	v45 =	vadd.s32 v4, v32;
	v29 =	vld.idx.msk [tilespmem:v29+s3+$0x0], $0xffff;
	[tilespmem:s17+$0xFFFFFFA0] =	vst v22;
	v19 =	vadd.f32 v35, v59  }
0x72: {  	v46 =	vmul.f32 v27, v11;
	v47 =	vadd.s32 v4, v31;
	[tilespmem:s17+$0xFFFFFF20] =	vst v23;
	v22 =	vld.idx.msk [tilespmem:v37+s3+$0x0], $0xffff  }
0x73: {  	v53 =	vadd.s32 v5, v32;
	v43 =	vmul.f32 v27, v12;
	v63 =	vld.idx.msk [tilespmem:v39+s3+$0x0], $0xffff;
	[tilespmem:s17+$0xA0] =	vst v19  }
0x74: {  	v44 =	vadd.s32 v5, v31;
	v48 =	vmul.f32 v26, v11;
	v19 =	vmul.f32 v30, v11;
	v36 =	vld.idx.msk [tilespmem:v61+s3+$0x0], $0xffff  }
0x75: {  	v40 =	vadd.s32 v4, v28;
	v41 =	vadd.s32 v4, v25;
	v56 =	vadd.s32 v5, v25;
	v23 =	vld.idx.msk [tilespmem:v20+s23+$0x0], $0xffff  }
0x76: {  	v57 =	vmul.f32 v24, v13;
	v58 =	vmul.f32 v26, v13;
	v29 =	vadd.f32 v29, v19;
	v19 =	vld.idx.msk [tilespmem:v62+s23+$0x0], $0xffff  }
0x77: {  	v42 =	vadd.s32 v0, v18;
	v49 =	vadd.s32 v0, v21;
	v20 =	vld.idx.msk [tilespmem:v20+s18+$0x0], $0xffff;
	v37 =	vadd.f32 v22, v46  }
0x78: {  	v22 =	vld.idx.msk [tilespmem:v62+s18+$0x0], $0xffff;
	[tilespmem:s17+$0x30] =	vst v29;
	v29 =	vmul.f32 v24, v11;
	v33 =	vadd.f32 v63, v48  }
0x79: {  	v39 =	vadd.s32 v1, v18;
	v61 =	vadd.s32 v1, v21;
	v35 =	vld.idx.msk [tilespmem:v45+s3+$0x0], $0xffff;
	[tilespmem:s17+$0xFFFFFFB0] =	vst v37  }
0x7a: {  	v29 =	vadd.f32 v36, v29;
	[tilespmem:s17+$0xFFFFFF30] =	vst v33;
	v50 =	vld.idx.msk [tilespmem:v47+s3+$0x0], $0xffff;
	v51 =	vadd.s32 v0, v23  }
0x7b: {  	v46 =	vadd.s32 v5, v28;
	v62 =	vadd.s32 v6, v31;
	v52 =	vld.idx.msk [tilespmem:v40+s3+$0x0], $0xffff;
	v55 =	vadd.s32 v0, v19  }
0x7c: {  	s9 =	simm.s32 $0xB;
	v45 =	vmul.f32 v26, v12;
	v34 =	vld.idx.msk [tilespmem:v49+s3+$0x0], $0xffff;
	[tilespmem:s17+$0xB0] =	vst v29;
	v29 =	vmul.f32 v30, v12  }
0x7d: {  	v48 =	vmov s9;
	v47 =	vmul.f32 v24, v12;
	v49 =	vmul.f32 v16, v8;
	v54 =	vld.idx.msk [tilespmem:v41+s3+$0x0], $0xffff  }
0x7e: {  	v59 =	vmul.f32 v20, v8;
	v60 =	vadd.s32 v1, v23;
	v41 =	vld.idx.msk [tilespmem:v42+s3+$0x0], $0xffff;
	v35 =	vadd.f32 v35, v29  }
0x7f: {  	v42 =	vmul.f32 v24, v14;
	v29 =	vadd.s32 v7, v25;
	v36 =	vld.idx.msk [tilespmem:v51+s3+$0x0], $0xffff;
	v33 =	vadd.f32 v50, v43  }
0x80: {  	v50 =	vmul.f32 v17, v8;
	[tilespmem:s17+$0x40] =	vst v35;
	v37 =	vadd.f32 v52, v45;
	v40 =	vld.idx.msk [tilespmem:v55+s3+$0x0], $0xffff  }
0x81: {  	v51 =	vmul.f32 v30, v13;
	v43 =	vmul.f32 v30, v15;
	v38 =	vld.idx.msk [tilespmem:v53+s3+$0x0], $0xffff;
	[tilespmem:s17+$0xFFFFFFC0] =	vst v33  }
0x82: {  	v45 =	vadd.s32 v6, v25;
	v25 =	vadd.f32 v54, v47;
	[tilespmem:s17+$0xFFFFFF40] =	vst v37;
	v33 =	vld.idx.msk [tilespmem:v44+s3+$0x0], $0xffff  }
0x83: {  	v52 =	vadd.s32 v6, v32;
	v53 =	vmul.f32 v22, v8;
	v34 =	vadd.f32 v50, v34;
	v46 =	vld.idx.msk [tilespmem:v46+s3+$0x0], $0xffff  }
0x84: {  	s8 =	simm.s32 $0x6200;
	v55 =	vmul.f32 v27, v13;
	[tilespmem:s17+$0xC0] =	vst v25;
	v36 =	vadd.f32 v59, v36;
	v25 =	vld.idx.msk [tilespmem:v48+s18+$0x0], $0xffff  }
0x85: {  	v54 =	vadd.s32 v1, v19;
	[tilespmem:s8+$0xFFFFFF00] =	vst v34;
	v35 =	vld.idx.msk [tilespmem:v56+s3+$0x0], $0xffff;
	v40 =	vadd.f32 v53, v40  }
0x86: {  	v32 =	vadd.s32 v7, v32;
	v56 =	vld.idx.msk [tilespmem:v61+s3+$0x0], $0xffff;
	v38 =	vadd.f32 v38, v51;
	[tilespmem:s8+$0x0] =	vst v36  }
0x87: {  	v59 =	vadd.s32 v2, v23;
	v53 =	vadd.f32 v49, v41;
	v47 =	vld.idx.msk [tilespmem:v60+s3+$0x0], $0xffff;
	[tilespmem:s8+$0xFFFFFF80] =	vst v40  }
0x88: {  	v61 =	vadd.s32 v2, v19;
	v41 =	vadd.s32 v3, v23;
	v36 =	vadd.s32 v6, v28;
	[tilespmem:s17+$0x50] =	vst v38  }
0x89: {  	v63 =	vadd.f32 v33, v55;
	v33 =	vmul.f32 v16, v10;
	[tilespmem:s8+$0x80] =	vst v53;
	v40 =	vld.idx.msk [tilespmem:v52+s3+$0x0], $0xffff  }
0x8a: {  	v60 =	vmul.f32 v30, v14;
	v37 =	vadd.f32 v46, v58;
	v55 =	vld.idx.msk [tilespmem:v54+s3+$0x0], $0xffff;
	v58 =	vmul.f32 v20, v9  }
0x8b: {  	v38 =	vmul.f32 v16, v9;
	v39 =	vld.idx.msk [tilespmem:v39+s3+$0x0], $0xffff;
	[tilespmem:s17+$0xFFFFFFD0] =	vst v63;
	v35 =	vadd.f32 v35, v57  }
0x8c: {  	v54 =	vadd.s32 v2, v18;
	[tilespmem:s17+$0xFFFFFF50] =	vst v37;
	v37 =	vld.idx.msk [tilespmem:v62+s3+$0x0], $0xffff;
	v44 =	vadd.f32 v47, v58  }
0x8d: {  	v57 =	vmul.f32 v22, v9;
	v62 =	vmul.f32 v17, v9;
	v47 =	vld.idx.msk [tilespmem:v36+s3+$0x0], $0xffff;
	[tilespmem:s17+$0xD0] =	vst v35  }
0x8e: {  	v63 =	vadd.s32 v2, v21;
	v45 =	vld.idx.msk [tilespmem:v45+s3+$0x0], $0xffff;
	v53 =	vadd.f32 v40, v60;
	[tilespmem:s8+$0x10] =	vst v44  }
0x8f: {  	v35 =	vadd.f32 v56, v62;
	v56 =	vmul.f32 v27, v14;
	v34 =	vadd.f32 v55, v57;
	v46 =	vld.idx.msk [tilespmem:v59+s3+$0x0], $0xffff  }
0x90: {  	s10 =	simm.s32 $0x8;
	v59 =	vadd.s32 v7, v31;
	v31 =	vadd.s32 v7, v28;
	v28 =	vld.idx.msk [tilespmem:v48+s23+$0x0], $0xffff;
	[tilespmem:s17+$0x60] =	vst v53  }
0x91: {  	v55 =	vmul.f32 v26, v14;
	v57 =	vmov s10;
	v58 =	vadd.f32 v39, v38;
	[tilespmem:s8+$0xFFFFFF90] =	vst v34;
	v36 =	vld.idx.msk [tilespmem:v32+s3+$0x0], $0xffff  }
0x92: {  	v39 =	vmul.f32 v17, v10;
	v60 =	vand.u32 $0xFFFFFFFC, v57;
	[tilespmem:s8+$0xFFFFFF10] =	vst v35;
	v38 =	vld.idx.msk [tilespmem:v61+s3+$0x0], $0xffff;
	v61 =	vadd.f32 v37, v56  }
0x93: {  	v35 =	vbroadcast v60, $0x0;
	[tilespmem:s8+$0x90] =	vst v58;
	v37 =	vld.idx.msk [tilespmem:v63+s3+$0x0], $0xffff;
	v63 =	vmul.f32 v20, v10;
	v62 =	vadd.f32 v47, v55  }
0x94: {  	s11 =	simm.s32 $0x9;
	v44 =	vmul.f32 v22, v10;
	v40 =	vld.idx.msk [tilespmem:v54+s3+$0x0], $0xffff;
	v45 =	vadd.f32 v45, v42;
	[tilespmem:s17+$0xFFFFFFE0] =	vst v61  }
0x95: {  	s9 =	simm.s32 $0xC;
	v30 =	vmov s11;
	s10 =	simm.s32 $0xA;
	v42 =	vadd.s32 v3, v19;
	[tilespmem:s17+$0xFFFFFF60] =	vst v62;
	v46 =	vadd.f32 v46, v63;
	v34 =	vld.idx.msk [tilespmem:v59+s3+$0x0], $0xffff  }
.LBB2_5:
0x96: {  	p1 =	slt.u32 s9, $0x13C;
	v32 =	vmov s10;
	v47 =	vadd.s32 v3, v21;
	v31 =	vld.idx.msk [tilespmem:v31+s3+$0x0], $0xffff;
	v36 =	vadd.f32 v36, v43;
	[tilespmem:s17+$0xE0] =	vst v45  }
0x97: {  	v38 =	vadd.f32 v38, v44;
	v43 =	vadd.s32 v3, v18;
	v32 =	vand.u32 $0xFFFFFFFE, v32;
	[tilespmem:s8+$0x20] =	vst v46;
	v29 =	vld.idx.msk [tilespmem:v29+s3+$0x0], $0xffff  }
0x98: {  	v30 =	vand.u32 $0xFFFFFFFD, v30;
	v37 =	vadd.f32 v37, v39;
	v32 =	vbroadcast v32, $0x0;
	v39 =	vld.idx.msk [tilespmem:v41+s3+$0x0], $0xffff;
	[tilespmem:s17+$0x70] =	vst v36  }
0x99: {  	v41 =	vbroadcast v30, $0x0;
	v30 =	vadd.f32 v40, v33;
	v33 =	vmul.f32 v27, v15;
	v36 =	vld.idx.msk [tilespmem:v35+s18+$0x0], $0xffff;
	[tilespmem:s8+$0xFFFFFFA0] =	vst v38  }
0x9a: {  	v27 =	vmov v22;
	v38 =	vmul.f32 v26, v15;
	v26 =	vmov v17;
	[tilespmem:s8+$0xFFFFFF20] =	vst v37;
	v37 =	vld.idx.msk [tilespmem:v42+s3+$0x0], $0xffff  }
0x9b: {  	v17 =	vadd.f32 v34, v33;
	v33 =	vmul.f32 v24, v15;
	v24 =	vmov v16;
	v22 =	vld.idx.msk [tilespmem:v47+s3+$0x0], $0xffff;
	[tilespmem:s8+$0xA0] =	vst v30  }
0x9c: {  	v40 =	vadd.s32 v4, v23;
	v34 =	vmul.f32 v20, v11;
	v31 =	vadd.f32 v31, v38;
	v42 =	vld.idx.msk [tilespmem:v43+s3+$0x0], $0xffff  }
0x9d: {  	v16 =	vmov v25;
	v38 =	vmul.f32 v27, v11;
	v43 =	vadd.f32 v29, v33;
	v30 =	vld.idx.msk [tilespmem:v35+s23+$0x0], $0xffff;
	[tilespmem:s17+$0xFFFFFFF0] =	vst v17  }
0x9e: {  	v25 =	vadd.s32 v4, v19;
	v29 =	vadd.f32 v39, v34;
	v35 =	vld.idx.msk [tilespmem:v32+s23+$0x0], $0xffff;
	[tilespmem:s17+$0xFFFFFF70] =	vst v31  }
0x9f: {  	v33 =	vmul.f32 v26, v11;
	v34 =	vadd.s32 v4, v21;
	v17 =	vmov v36;
	v31 =	vld.idx.msk [tilespmem:v41+s23+$0x0], $0xffff;
	[tilespmem:s17+$0xF0] =	vst v43;
	s17 =	smov.u32 s8  }
0xa0: {  	v36 =	vadd.f32 v37, v38;
	v37 =	vadd.s32 v4, v18;
	[tilespmem:s8+$0x30] =	vst v29;
	v29 =	vmul.f32 v24, v11  }
0xa1: {  	v38 =	vadd.s32 v0, v28;
	v33 =	vadd.f32 v22, v33;
	v39 =	vld.idx.msk [tilespmem:v40+s3+$0x0], $0xffff  }
0xa2: {  	v22 =	vld.idx.msk [tilespmem:v41+s18+$0x0], $0xffff;
	[tilespmem:s8+$0xFFFFFFB0] =	vst v36;
	v29 =	vadd.f32 v42, v29  }
0xa3: {  	v36 =	vadd.s32 v0, v30;
	[tilespmem:s8+$0xFFFFFF30] =	vst v33;
	v25 =	vld.idx.msk [tilespmem:v25+s3+$0x0], $0xffff  }
0xa4: {  	v33 =	vadd.s32 v0, v35;
	v40 =	vld.idx.msk [tilespmem:v34+s3+$0x0], $0xffff;
	[tilespmem:s8+$0xB0] =	vst v29  }
0xa5: {  	v41 =	vmul.f32 v20, v12;
	v42 =	vadd.s32 v5, v23;
	v37 =	vld.idx.msk [tilespmem:v37+s3+$0x0], $0xffff  }
0xa6: {  	v43 =	vadd.s32 v0, v31;
	v34 =	vmul.f32 v24, v14;
	v29 =	vadd.s32 v7, v18;
	v38 =	vld.idx.msk [tilespmem:v38+s3+$0x0], $0xffff  }
0xa7: {  	v45 =	vadd.s32 v5, v19;
	v44 =	vmul.f32 v27, v12;
	v39 =	vadd.f32 v39, v41;
	v32 =	vld.idx.msk [tilespmem:v32+s18+$0x0], $0xffff  }
0xa8: {  	v46 =	vadd.s32 v5, v21;
	v47 =	vmul.f32 v24, v12;
	v41 =	vmul.f32 v26, v12;
	v36 =	vld.idx.msk [tilespmem:v36+s3+$0x0], $0xffff  }
0xa9: {  	v25 =	vadd.f32 v25, v44;
	v33 =	vld.idx.msk [tilespmem:v33+s3+$0x0], $0xffff;
	[tilespmem:s8+$0x40] =	vst v39;
	v39 =	vadd.s32 v5, v18  }
0xaa: {  	s10 =	sadd.s32 $0x3, s9;
	v44 =	vadd.s32 v6, v18;
	v40 =	vadd.f32 v40, v41;
	v41 =	vld.idx.msk [tilespmem:v42+s3+$0x0], $0xffff;
	v42 =	vmul.f32 v24, v13  }
0xab: {  	v48 =	vmov s10;
	v49 =	vmul.f32 v16, v8;
	v18 =	vmovc v28;
	v43 =	vld.idx.msk [tilespmem:v43+s3+$0x0], $0xffff;
	[tilespmem:s8+$0xFFFFFFC0] =	vst v25;
	v25 =	vadd.f32 v37, v47  }
0xac: {  	v28 =	vadd.s32 v1, v18;
	v37 =	vmul.f32 v26, v13;
	[tilespmem:s8+$0xFFFFFF40] =	vst v40;
	v40 =	vld.idx.msk [tilespmem:v45+s3+$0x0], $0xffff  }
0xad: {  	v47 =	vadd.s32 v1, v35;
	v45 =	vmul.f32 v32, v8;
	v46 =	vld.idx.msk [tilespmem:v46+s3+$0x0], $0xffff;
	[tilespmem:s8+$0xC0] =	vst v25  }
0xae: {  	v51 =	vmul.f32 v20, v13;
	v52 =	vadd.s32 v6, v23;
	v50 =	vmul.f32 v17, v8;
	v39 =	vld.idx.msk [tilespmem:v39+s3+$0x0], $0xffff  }
0xaf: {  	v54 =	vadd.s32 v1, v31;
	v53 =	vmul.f32 v22, v8;
	v33 =	vadd.f32 v45, v33  }
0xb0: {  	v55 =	vmul.f32 v27, v13;
	s8 =	sadd.s32 $0x200, s8;
	v45 =	vadd.s32 v1, v30;
	v41 =	vadd.f32 v41, v51;
	v25 =	vld.idx.msk [tilespmem:v48+s18+$0x0], $0xffff  }
0xb1: {  	v51 =	vadd.s32 v6, v21;
	v43 =	vadd.f32 v53, v43;
	v53 =	vadd.s32 v6, v19;
	[tilespmem:s8+$0x0] =	vst v33  }
0xb2: {  	v33 =	vadd.f32 v50, v36;
	v40 =	vadd.f32 v40, v55;
	v36 =	vld.idx.msk [tilespmem:v47+s3+$0x0], $0xffff;
	[tilespmem:s17+$0x50] =	vst v41  }
0xb3: {  	v38 =	vadd.f32 v49, v38;
	v37 =	vadd.f32 v46, v37;
	[tilespmem:s8+$0xFFFFFF80] =	vst v43;
	v41 =	vld.idx.msk [tilespmem:v52+s3+$0x0], $0xffff  }
0xb4: {  	v39 =	vadd.f32 v39, v42;
	[tilespmem:s8+$0xFFFFFF00] =	vst v33;
	v43 =	vld.idx.msk [tilespmem:v54+s3+$0x0], $0xffff;
	v33 =	vmul.f32 v16, v10  }
0xb5: {  	v42 =	vld.idx.msk [tilespmem:v45+s3+$0x0], $0xffff;
	v45 =	vmul.f32 v22, v9;
	[tilespmem:s8+$0x80] =	vst v38;
	v38 =	vmul.f32 v16, v9  }
0xb6: {  	v46 =	vmul.f32 v32, v9;
	v47 =	vadd.s32 v2, v35;
	v28 =	vld.idx.msk [tilespmem:v28+s3+$0x0], $0xffff;
	[tilespmem:s17+$0xFFFFFFD0] =	vst v40  }
0xb7: {  	v49 =	vadd.s32 v7, v23;
	v23 =	vmov v35;
	v40 =	vmul.f32 v20, v14;
	[tilespmem:s17+$0xFFFFFF50] =	vst v37;
	v37 =	vld.idx.msk [tilespmem:v53+s3+$0x0], $0xffff  }
0xb8: {  	v35 =	vadd.s32 v2, v31;
	v36 =	vadd.f32 v36, v46;
	v46 =	vld.idx.msk [tilespmem:v51+s3+$0x0], $0xffff;
	[tilespmem:s17+$0xD0] =	vst v39  }
0xb9: {  	v50 =	vadd.s32 v2, v30;
	v39 =	vmul.f32 v17, v9;
	v40 =	vadd.f32 v41, v40;
	v44 =	vld.idx.msk [tilespmem:v44+s3+$0x0], $0xffff  }
0xba: {  	v41 =	vadd.f32 v43, v45;
	v43 =	vadd.s32 v2, v18;
	v45 =	vmul.f32 v26, v14;
	[tilespmem:s8+$0x10] =	vst v36  }
0xbb: {  	v39 =	vadd.f32 v42, v39;
	v42 =	vmul.f32 v27, v14;
	v47 =	vld.idx.msk [tilespmem:v47+s3+$0x0], $0xffff;
	[tilespmem:s17+$0x60] =	vst v40  }
0xbc: {  	v51 =	vadd.s32 v7, v19;
	v19 =	vmovc v31;
	v40 =	vmov s9;
	v28 =	vadd.f32 v28, v38;
	[tilespmem:s8+$0xFFFFFF90] =	vst v41;
	v36 =	vld.idx.msk [tilespmem:v49+s3+$0x0], $0xffff  }
.Ltmp1:
0xbd: {  	v31 =	vadd.s32 v7, v21;
	v40 =	vand.u32 $0xFFFFFFFC, v40;
	v42 =	vadd.f32 v37, v42;
	[tilespmem:s8+$0xFFFFFF10] =	vst v39;
	v38 =	vld.idx.msk [tilespmem:v35+s3+$0x0], $0xffff;
	(pc) =	sbr.rel @p1 .LBB2_5-.Ltmp1, $4  }
0xbe: {  	v35 =	vbroadcast v40, $0x0;
	v39 =	vmul.f32 v17, v10;
	v49 =	vadd.f32 v46, v45;
	v37 =	vld.idx.msk [tilespmem:v50+s3+$0x0], $0xffff;
	[tilespmem:s8+$0x90] =	vst v28  }
0xbf: {  	v41 =	vadd.s32 v3, v23;
	v46 =	vmul.f32 v32, v10;
	v45 =	vadd.f32 v44, v34;
	v40 =	vld.idx.msk [tilespmem:v43+s3+$0x0], $0xffff  }
0xc0: {  	s10 =	sadd.s32 $0x1, s9;
	v21 =	vmov v30;
	v44 =	vmul.f32 v22, v10;
	v43 =	vmul.f32 v20, v15;
	v28 =	vld.idx.msk [tilespmem:v48+s23+$0x0], $0xffff;
	[tilespmem:s17+$0xFFFFFFE0] =	vst v42  }
0xc1: {  	v30 =	vmov s10;
	s10 =	sadd.s32 $0x2, s9;
	s9 =	sadd.s32 $0x4, s9;
	v20 =	vmovc v32;
	v42 =	vadd.s32 v3, v19;
	v46 =	vadd.f32 v47, v46;
	[tilespmem:s17+$0xFFFFFF60] =	vst v49;
	v34 =	vld.idx.msk [tilespmem:v51+s3+$0x0], $0xffff  }
0xc2: {  	v32 =	vmov s10  }
0xc3: {  	v32 =	vand.u32 $0xFFFFFFFE, v32  }
0xc4: {  	v30 =	vand.u32 $0xFFFFFFFD, v30;
	v47 =	vbroadcast v32, $0x0  }
0xc5: {  	v48 =	vbroadcast v30, $0x0;
	_ =	sdelay $0x2  }
0xc6: {  	v49 =	vld.idx.msk [tilespmem:v31+s3+$0x0], $0xffff;
	[tilespmem:s17+$0xE0] =	vst v45  }
0xc7: {  	v45 =	vld.idx.msk [tilespmem:v29+s3+$0x0], $0xffff  }
0xc8: {  	v32 =	vld.idx.msk [tilespmem:v47+s23+$0x0], $0xffff  }
0xc9: {  	v50 =	vadd.s32 v3, v21;
	v31 =	vld.idx.msk [tilespmem:v48+s23+$0x0], $0xffff  }
0xca: {  	v38 =	vadd.f32 v38, v44;
	v62 =	vadd.s32 v3, v18;
	v30 =	vld.idx.msk [tilespmem:v35+s23+$0x0], $0xffff  }
0xcb: {  	[tilespmem:s8+$0x20] =	vst v46;
	v37 =	vadd.f32 v37, v39;
	v29 =	vld.idx.msk [tilespmem:v35+s18+$0x0], $0xffff  }
0xcc: {  	v63 =	vld.idx.msk [tilespmem:v41+s3+$0x0], $0xffff;
	[tilespmem:s8+$0xFFFFFFA0] =	vst v38;
	v33 =	vadd.f32 v40, v33  }
0xcd: {  	[tilespmem:s8+$0xFFFFFF20] =	vst v37;
	v51 =	vld.idx.msk [tilespmem:v42+s3+$0x0], $0xffff;
	v52 =	vadd.s32 v0, v32  }
0xce: {  	[tilespmem:s8+$0xA0] =	vst v33;
	v38 =	vld.idx.msk [tilespmem:v50+s3+$0x0], $0xffff;
	v53 =	vadd.s32 v0, v31  }
0xcf: {  	v54 =	vmul.f32 v27, v15;
	v41 =	vld.idx.msk [tilespmem:v62+s3+$0x0], $0xffff;
	v55 =	vadd.s32 v0, v30  }
0xd0: {  	v36 =	vadd.f32 v36, v43;
	v57 =	vmul.f32 v26, v15;
	v56 =	vadd.s32 v0, v28;
	v27 =	vld.idx.msk [tilespmem:v47+s18+$0x0], $0xffff  }
0xd1: {  	v24 =	vmul.f32 v24, v15;
	v58 =	vmul.f32 v20, v11;
	v34 =	vadd.f32 v34, v54;
	v26 =	vld.idx.msk [tilespmem:v48+s18+$0x0], $0xffff  }
0xd2: {  	v59 =	vadd.s32 v4, v23;
	v60 =	vmul.f32 v22, v11;
	[tilespmem:s17+$0x70] =	vst v36;
	v37 =	vld.idx.msk [tilespmem:v52+s3+$0x0], $0xffff  }
0xd3: {  	v54 =	vmul.f32 v25, v8;
	v36 =	vadd.f32 v49, v57;
	[tilespmem:s17+$0xFFFFFFF0] =	vst v34;
	v33 =	vld.idx.msk [tilespmem:v53+s3+$0x0], $0xffff  }
0xd4: {  	v24 =	vadd.f32 v45, v24;
	v34 =	vadd.s32 v4, v19;
	v39 =	vadd.f32 v63, v58;
	v61 =	vld.idx.msk [tilespmem:v55+s3+$0x0], $0xffff  }
0xd5: {  	[tilespmem:s17+$0xFFFFFF70] =	vst v36;
	v62 =	vld.idx.msk [tilespmem:v56+s3+$0x0], $0xffff;
	v63 =	vmul.f32 v27, v8;
	v48 =	vadd.s32 v1, v32  }
0xd6: {  	[tilespmem:s17+$0xF0] =	vst v24;
	v49 =	vadd.f32 v51, v60;
	v50 =	vmul.f32 v26, v8;
	v51 =	vadd.s32 v1, v31  }
0xd7: {  	[tilespmem:s8+$0x30] =	vst v39;
	v53 =	vadd.s32 v1, v30;
	v52 =	vmul.f32 v29, v8;
	v37 =	vadd.f32 v63, v37  }
0xd8: {  	s9 =	sadd.s32 $0x200, s8;
	[tilespmem:s8+$0xFFFFFFB0] =	vst v49;
	v44 =	vld.idx.msk [tilespmem:v59+s3+$0x0], $0xffff;
	v55 =	vadd.s32 v1, v28;
	v33 =	vadd.f32 v50, v33  }
0xd9: {  	v56 =	vmul.f32 v17, v11;
	v34 =	vld.idx.msk [tilespmem:v34+s3+$0x0], $0xffff;
	v57 =	vadd.f32 v52, v61;
	[tilespmem:s9+$0x0] =	vst v37  }
0xda: {  	v58 =	vadd.s32 v4, v21;
	v24 =	vadd.f32 v54, v62;
	[tilespmem:s9+$0xFFFFFF80] =	vst v33;
	v59 =	vld.idx.msk [tilespmem:v48+s3+$0x0], $0xffff  }
0xdb: {  	v60 =	vmul.f32 v16, v11;
	v35 =	vadd.f32 v38, v56;
	[tilespmem:s9+$0xFFFFFF00] =	vst v57;
	v61 =	vld.idx.msk [tilespmem:v51+s3+$0x0], $0xffff  }
0xdc: {  	v56 =	vmul.f32 v25, v9;
	v62 =	vadd.s32 v4, v18;
	[tilespmem:s9+$0x80] =	vst v24;
	v63 =	vld.idx.msk [tilespmem:v53+s3+$0x0], $0xffff  }
0xdd: {  	v49 =	vmul.f32 v27, v9;
	v54 =	vmul.f32 v29, v9;
	v50 =	vadd.s32 v2, v32;
	v51 =	vld.idx.msk [tilespmem:v55+s3+$0x0], $0xffff  }
0xde: {  	[tilespmem:s8+$0xFFFFFF30] =	vst v35;
	v52 =	vmul.f32 v26, v9;
	v53 =	vadd.s32 v2, v31;
	v48 =	vadd.f32 v41, v60  }
0xdf: {  	v39 =	vld.idx.msk [tilespmem:v58+s3+$0x0], $0xffff;
	v58 =	vmul.f32 v20, v12;
	v55 =	vadd.s32 v2, v30;
	v33 =	vadd.f32 v59, v49  }
0xe0: {  	v57 =	vadd.s32 v2, v28;
	v60 =	vadd.s32 v5, v23;
	[tilespmem:s8+$0xB0] =	vst v48;
	v35 =	vadd.f32 v61, v52  }
0xe1: {  	v48 =	vadd.s32 v6, v23;
	v37 =	vld.idx.msk [tilespmem:v62+s3+$0x0], $0xffff;
	v59 =	vadd.f32 v63, v54;
	[tilespmem:s9+$0x10] =	vst v33  }
0xe2: {  	v62 =	vmul.f32 v22, v12;
	v24 =	vadd.f32 v51, v56;
	[tilespmem:s9+$0xFFFFFF90] =	vst v35;
	v61 =	vld.idx.msk [tilespmem:v50+s3+$0x0], $0xffff  }
0xe3: {  	v51 =	vadd.f32 v44, v58;
	v52 =	vmul.f32 v17, v12;
	[tilespmem:s9+$0xFFFFFF10] =	vst v59;
	v50 =	vld.idx.msk [tilespmem:v53+s3+$0x0], $0xffff  }
0xe4: {  	v56 =	vmul.f32 v26, v10;
	v63 =	vadd.s32 v5, v19;
	[tilespmem:s9+$0x90] =	vst v24;
	v53 =	vld.idx.msk [tilespmem:v55+s3+$0x0], $0xffff  }
0xe5: {  	v54 =	vmul.f32 v27, v10;
	v34 =	vadd.f32 v34, v62;
	v36 =	vld.idx.msk [tilespmem:v57+s3+$0x0], $0xffff;
	v55 =	vadd.s32 v3, v32  }
0xe6: {  	v58 =	vmul.f32 v29, v10;
	[tilespmem:s8+$0x40] =	vst v51;
	v51 =	vadd.f32 v39, v52;
	v57 =	vadd.s32 v3, v31  }
0xe7: {  	v38 =	vld.idx.msk [tilespmem:v60+s3+$0x0], $0xffff;
	v59 =	vadd.s32 v3, v30;
	[tilespmem:s8+$0xFFFFFFC0] =	vst v34;
	v40 =	vadd.f32 v61, v54  }
0xe8: {  	v60 =	vmul.f32 v25, v10;
	[tilespmem:s8+$0xFFFFFF40] =	vst v51;
	v33 =	vadd.f32 v50, v56;
	v61 =	vadd.s32 v3, v28  }
0xe9: {  	v24 =	vadd.s32 v5, v21;
	v41 =	vld.idx.msk [tilespmem:v63+s3+$0x0], $0xffff;
	v63 =	vadd.f32 v53, v58;
	[tilespmem:s9+$0x20] =	vst v40  }
0xea: {  	v62 =	vmul.f32 v16, v12;
	v50 =	vadd.f32 v36, v60;
	[tilespmem:s9+$0xFFFFFFA0] =	vst v33;
	v46 =	vld.idx.msk [tilespmem:v55+s3+$0x0], $0xffff  }
0xeb: {  	v23 =	vadd.s32 v7, v23;
	v49 =	vadd.s32 v5, v18;
	[tilespmem:s9+$0xFFFFFF20] =	vst v63;
	v52 =	vld.idx.msk [tilespmem:v57+s3+$0x0], $0xffff  }
0xec: {  	v37 =	vadd.f32 v37, v62;
	v53 =	vmul.f32 v20, v13;
	[tilespmem:s9+$0xA0] =	vst v50;
	v54 =	vld.idx.msk [tilespmem:v59+s3+$0x0], $0xffff  }
0xed: {  	v62 =	vmul.f32 v25, v11;
	v56 =	vadd.s32 v4, v32;
	v55 =	vmul.f32 v27, v11;
	v35 =	vld.idx.msk [tilespmem:v61+s3+$0x0], $0xffff  }
0xee: {  	v24 =	vld.idx.msk [tilespmem:v24+s3+$0x0], $0xffff;
	v58 =	vadd.s32 v4, v31;
	v38 =	vadd.f32 v38, v53;
	v57 =	vmul.f32 v26, v11  }
0xef: {  	[tilespmem:s8+$0xC0] =	vst v37;
	v60 =	vadd.s32 v4, v30;
	v59 =	vmul.f32 v29, v11;
	v33 =	vadd.f32 v46, v55  }
0xf0: {  	v51 =	vmul.f32 v17, v13;
	v63 =	vadd.s32 v4, v28;
	[tilespmem:s8+$0x50] =	vst v38;
	v61 =	vadd.f32 v52, v57  }
0xf1: {  	v44 =	vld.idx.msk [tilespmem:v49+s3+$0x0], $0xffff;
	v36 =	vmul.f32 v16, v13;
	v49 =	vadd.f32 v54, v59;
	[tilespmem:s9+$0x30] =	vst v33  }
0xf2: {  	v50 =	vmul.f32 v22, v13;
	[tilespmem:s9+$0xFFFFFFB0] =	vst v61;
	v35 =	vadd.f32 v35, v62;
	v34 =	vld.idx.msk [tilespmem:v56+s3+$0x0], $0xffff  }
0xf3: {  	v24 =	vadd.f32 v24, v51;
	v52 =	vadd.s32 v6, v19;
	[tilespmem:s9+$0xFFFFFF30] =	vst v49;
	v53 =	vld.idx.msk [tilespmem:v58+s3+$0x0], $0xffff  }
0xf4: {  	v37 =	vadd.f32 v41, v50;
	v54 =	vadd.s32 v6, v21;
	v55 =	vld.idx.msk [tilespmem:v60+s3+$0x0], $0xffff;
	[tilespmem:s9+$0xB0] =	vst v35  }
0xf5: {  	[tilespmem:s8+$0xFFFFFF50] =	vst v24;
	v57 =	vadd.s32 v5, v32;
	v56 =	vmul.f32 v27, v12;
	v40 =	vld.idx.msk [tilespmem:v63+s3+$0x0], $0xffff  }
0xf6: {  	v36 =	vadd.f32 v44, v36;
	[tilespmem:s8+$0xFFFFFFD0] =	vst v37;
	v59 =	vmul.f32 v26, v12;
	v60 =	vadd.s32 v5, v31  }
0xf7: {  	v62 =	vmul.f32 v29, v12;
	v58 =	vld.idx.msk [tilespmem:v48+s3+$0x0], $0xffff;
	v63 =	vadd.s32 v5, v30;
	v61 =	vadd.f32 v34, v56  }
0xf8: {  	v49 =	vadd.s32 v5, v28;
	v48 =	vmul.f32 v25, v12;
	v39 =	vld.idx.msk [tilespmem:v52+s3+$0x0], $0xffff;
	v33 =	vadd.f32 v53, v59  }
0xf9: {  	v50 =	vadd.s32 v6, v18;
	v42 =	vld.idx.msk [tilespmem:v54+s3+$0x0], $0xffff;
	v51 =	vadd.f32 v55, v62;
	[tilespmem:s9+$0x40] =	vst v61  }
0xfa: {  	v18 =	vadd.s32 v7, v18;
	[tilespmem:s9+$0xFFFFFFC0] =	vst v33;
	v53 =	vadd.f32 v40, v48;
	v38 =	vld.idx.msk [tilespmem:v57+s3+$0x0], $0xffff  }
0xfb: {  	v19 =	vadd.s32 v7, v19;
	v52 =	vmul.f32 v20, v14;
	[tilespmem:s9+$0xFFFFFF40] =	vst v51;
	v54 =	vld.idx.msk [tilespmem:v60+s3+$0x0], $0xffff  }
0xfc: {  	v21 =	vadd.s32 v7, v21;
	v20 =	vmul.f32 v20, v15;
	v35 =	vld.idx.msk [tilespmem:v63+s3+$0x0], $0xffff;
	[tilespmem:s9+$0xC0] =	vst v53  }
0xfd: {  	v34 =	vadd.f32 v58, v52;
	v55 =	vmul.f32 v27, v13;
	v56 =	vadd.s32 v6, v32;
	v37 =	vld.idx.msk [tilespmem:v49+s3+$0x0], $0xffff  }
0xfe: {  	v58 =	vmul.f32 v26, v13;
	v59 =	vadd.s32 v6, v31;
	v62 =	vadd.s32 v6, v30  }
0xff: {  	[tilespmem:s8+$0xD0] =	vst v36;
	v52 =	vadd.s32 v6, v28;
	v61 =	vmul.f32 v29, v13;
	v38 =	vadd.f32 v38, v55  }
0x100: {  	[tilespmem:s8+$0x60] =	vst v34;
	v60 =	vld.idx.msk [tilespmem:v50+s3+$0x0], $0xffff;
	v63 =	vmul.f32 v25, v13;
	v24 =	vadd.f32 v54, v58  }
0x101: {  	v33 =	vmul.f32 v17, v14;
	v23 =	vld.idx.msk [tilespmem:v23+s3+$0x0], $0xffff;
	v35 =	vadd.f32 v35, v61;
	[tilespmem:s9+$0x50] =	vst v38  }
0x102: {  	v57 =	vmul.f32 v22, v14;
	v34 =	vadd.f32 v37, v63;
	[tilespmem:s9+$0xFFFFFFD0] =	vst v24;
	v38 =	vld.idx.msk [tilespmem:v56+s3+$0x0], $0xffff  }
0x103: {  	v32 =	vadd.s32 v7, v32;
	v33 =	vadd.f32 v42, v33;
	[tilespmem:s9+$0xFFFFFF50] =	vst v35;
	v54 =	vld.idx.msk [tilespmem:v59+s3+$0x0], $0xffff  }
0x104: {  	v40 =	vmul.f32 v16, v14;
	v53 =	vadd.f32 v39, v57;
	v56 =	vld.idx.msk [tilespmem:v62+s3+$0x0], $0xffff;
	[tilespmem:s9+$0xD0] =	vst v34  }
0x105: {  	v31 =	vadd.s32 v7, v31;
	v57 =	vmul.f32 v27, v14;
	[tilespmem:s8+$0xFFFFFF60] =	vst v33;
	v34 =	vld.idx.msk [tilespmem:v52+s3+$0x0], $0xffff  }
0x106: {  	[tilespmem:s8+$0xFFFFFFE0] =	vst v53;
	v21 =	vld.idx.msk [tilespmem:v21+s3+$0x0], $0xffff;
	v55 =	vadd.f32 v60, v40;
	v58 =	vmul.f32 v26, v14  }
0x107: {  	v30 =	vadd.s32 v7, v30;
	v19 =	vld.idx.msk [tilespmem:v19+s3+$0x0], $0xffff;
	v59 =	vmul.f32 v29, v14;
	v24 =	vadd.f32 v38, v57  }
0x108: {  	v60 =	vmul.f32 v25, v14;
	v61 =	vadd.s32 v7, v28;
	[tilespmem:s8+$0xE0] =	vst v55;
	v33 =	vadd.f32 v54, v58  }
0x109: {  	v17 =	vmul.f32 v17, v15;
	v18 =	vld.idx.msk [tilespmem:v18+s3+$0x0], $0xffff;
	v62 =	vadd.f32 v56, v59;
	[tilespmem:s9+$0x60] =	vst v24  }
0x10a: {  	v22 =	vmul.f32 v22, v15;
	v34 =	vadd.f32 v34, v60;
	[tilespmem:s9+$0xFFFFFFE0] =	vst v33;
	v32 =	vld.idx.msk [tilespmem:v32+s3+$0x0], $0xffff  }
0x10b: {  	v16 =	vmul.f32 v16, v15;
	v20 =	vadd.f32 v23, v20;
	[tilespmem:s9+$0xFFFFFF60] =	vst v62;
	v23 =	vld.idx.msk [tilespmem:v31+s3+$0x0], $0xffff  }
0x10c: {  	v17 =	vadd.f32 v21, v17;
	v19 =	vadd.f32 v19, v22;
	v22 =	vld.idx.msk [tilespmem:v30+s3+$0x0], $0xffff;
	[tilespmem:s9+$0xE0] =	vst v34  }
0x10d: {  	[tilespmem:s8+$0x70] =	vst v20;
	v20 =	vmul.f32 v27, v15;
	v21 =	vld.idx.msk [tilespmem:v61+s3+$0x0], $0xffff  }
0x10e: {  	[tilespmem:s8+$0xFFFFFF70] =	vst v17;
	v16 =	vadd.f32 v18, v16;
	v18 =	vmul.f32 v26, v15  }
0x10f: {  	[tilespmem:s8+$0xFFFFFFF0] =	vst v19;
	v19 =	vmul.f32 v29, v15;
	v17 =	vadd.f32 v32, v20  }
0x110: {  	[tilespmem:s8+$0xF0] =	vst v16;
	v16 =	vadd.f32 v23, v18;
	v18 =	vmul.f32 v25, v15  }
0x111: {  	[tilespmem:s9+$0x70] =	vst v17;
	v17 =	vadd.f32 v22, v19  }
0x112: {  	p1 =	seq.s32 s31, $0x9F;
	[tilespmem:s9+$0xFFFFFFF0] =	vst v16;
	v16 =	vadd.f32 v21, v18  }
0x113: {  	s16 =	sshll.u32 s16, $0x4;
	s1 =	sadd.s32 @!p1 s1, s13;
	[tilespmem:s9+$0xFFFFFF70] =	vst v17  }
0x114: {  	s1 =	sshrl.u32 @!p1 s1, $0x3;
	s8 =	sadd.s32 s2, s16;
	[tilespmem:s9+$0xF0] =	vst v16  }
0x115: {  	[hbm4b:s8+s3] =	stream.linear.scatter [tilespmem:s24], [sflag:$0x3], $0xA000, $0x38;
	[tilespmem:$0x19F00] =	vst v63  }
0x116: {  	s10 =	simm.s32 @!p1 $0x5600;
	s9 =	simm.s32 @!p1 $0x0;
	s8 =	sadd.s32 @!p1 s4, s1  }
0x117: {  	[tilespmem:s10], [sflag:$0x1] =	stream.linear.gather @!p1 [hbm4b:s8+s9], $0x140, $0x38;
	[tilespmem:$0x19F00] =	vst v63  }
0x118: {  	s8 =	sadd.s32 @!p1 s6, s1;
	s10 =	simm.s32 @!p1 $0x5900  }
0x119: {  	[tilespmem:s10], [sflag:$0x1] =	stream.linear.gather @!p1 [hbm4b:s8+s9], $0x140, $0x38;
	[tilespmem:$0x19F00] =	vst v63  }
0x11a: {  	s1 =	sadd.s32 @!p1 s7, s1;
	s8 =	simm.s32 @!p1 $0x5C00  }
0x11b: {  	[tilespmem:s8], [sflag:$0x1] =	stream.linear.gather @!p1 [hbm4b:s1+s9], $0x140, $0x38;
	[tilespmem:$0x19F00] =	vst v63  }
0x11c: {  	_ =	swait.ge [sflag:s25], $0x140  }
0x11d: {  	[sflag:s25] =	ssyncset.done $0x0  }
0x11e: {  	[sflag:s25] =	ssyncadd.s32 $0xFFFFFEC0  }
0x11f: {  	_ =	swait.ge [sflag:s25], $0x140  }
0x120: {  	[sflag:s25] =	ssyncset.done $0x0  }
0x121: {  	[sflag:s25] =	ssyncadd.s32 $0xFFFFFEC0  }
0x122: {  	_ =	swait.ge [sflag:s25], $0x140  }
0x123: {  	[sflag:s25] =	ssyncset.done $0x0  }
0x124: {  	s1 =	simm.s32 @!p0 $0x4;
	[sflag:s25] =	ssyncadd.s32 $0xFFFFFEC0  }
0x125: {  	_ =	swait.ge @!p0 [sflag:s1], $0xA000  }
0x126: {  	[sflag:s1] =	ssyncset.done @!p0 $0x0  }
0x127: {  	s17 =	simm.s32 $0x57A0;
	[sflag:s1] =	ssyncadd.s32 @!p0 $0xFFFF6000  }
0x128: {  	s9 =	simm.s32 $0x5AA0;
	v16 =	vld [tilespmem:s17+$0x10]  }
0x129: {  	v17 =	vld [tilespmem:s9+$0x10]  }
0x12a: {  	v22 =	vld [tilespmem:s17+$0xFFFFFFF0]  }
0x12b: {  	v21 =	vld [tilespmem:s17+$0x0]  }
0x12c: {  	v20 =	vld [tilespmem:s17+$0xFFFFFFE0]  }
0x12d: {  	v19 =	vld [tilespmem:s9+$0xFFFFFFE0];
	v23 =	vmul.u32 $0x380, v16  }
0x12e: {  	s11 =	simm.s32 $0x57E0;
	v18 =	vld [tilespmem:s9+$0xFFFFFFF0];
	v63 =	vshll.u32 v17, $0x7  }
0x12f: {  	s10 =	simm.s32 $0x0;
	s8 =	simm.s32 $0x54A0;
	s1 =	simm.s32 $0x10000;
	v16 =	vmul.u32 $0x380, v22;
	v17 =	vld [tilespmem:s9+$0x0];
	v22 =	vadd.s32 v23, v63  }
.LBB2_7:
0x130: {  	v23 =	vld [tilespmem:s11+$0x10];
	s10 =	sadd.s32 $0x4, s10;
	v24 =	vmul.u32 $0x380, v21;
	[tilespmem:s8+$0x10] =	vst v22;
	s9 =	sadd.s32 $0x40, s9  }
0x131: {  	v22 =	vld [tilespmem:s9+$0x10];
	p0 =	slt.u32 s10, $0x10;
	v20 =	vmul.u32 $0x380, v20  }
0x132: {  	v25 =	vld [tilespmem:s11+$0xFFFFFFF0];
	v19 =	vshll.u32 v19, $0x7  }
.Ltmp2:
0x133: {  	v21 =	vld [tilespmem:s11+$0x0];
	v19 =	vadd.s32 v20, v19;
	v18 =	vshll.u32 v18, $0x7;
	(pc) =	sbr.rel @p0 .LBB2_7-.Ltmp2, $4  }
0x134: {  	v20 =	vld [tilespmem:s11+$0xFFFFFFE0];
	[tilespmem:s8+$0xFFFFFFE0] =	vst v19;
	v16 =	vadd.s32 v16, v18;
	v17 =	vshll.u32 v17, $0x7  }
0x135: {  	v19 =	vld [tilespmem:s9+$0xFFFFFFE0];
	v23 =	vmul.u32 $0x380, v23;
	[tilespmem:s8+$0xFFFFFFF0] =	vst v16;
	v16 =	vadd.s32 v24, v17  }
0x136: {  	v18 =	vld [tilespmem:s9+$0xFFFFFFF0];
	v22 =	vshll.u32 v22, $0x7;
	[tilespmem:s8+$0x0] =	vst v16  }
0x137: {  	s11 =	sadd.s32 $0x40, s11;
	s8 =	sadd.s32 $0x40, s8;
	v16 =	vmul.u32 $0x380, v25;
	v17 =	vld [tilespmem:s9+$0x0];
	v22 =	vadd.s32 v23, v22  }
0x138: {  	s9 =	simm.s32 $0x2;
	v21 =	vmul.u32 $0x380, v21;
	s17 =	simm.s32 $0x1  }
0x139: {  	v23 =	vmov s9;
	v20 =	vmul.u32 $0x380, v20;
	v24 =	vmov s17  }
0x13a: {  	s10 =	simm.s32 $0x0;
	v23 =	vand.u32 $0xFFFFFFFE, v23;
	v19 =	vshll.u32 v19, $0x7;
	v24 =	vand.u32 $0xFFFFFFFD, v24  }
0x13b: {  	v23 =	vbroadcast v23, $0x0;
	v19 =	vadd.s32 v20, v19;
	v20 =	vmov s10  }
0x13c: {  	[tilespmem:s8+$0x10] =	vst v22;
	v18 =	vshll.u32 v18, $0x7;
	v22 =	vbroadcast v24, $0x0;
	v20 =	vand.u32 $0xFFFFFFFC, v20  }
0x13d: {  	v16 =	vadd.s32 v16, v18;
	v17 =	vshll.u32 v17, $0x7;
	v18 =	vbroadcast v20, $0x0  }
0x13e: {  	s11 =	simm.s32 $0x3;
	[tilespmem:s8+$0xFFFFFFF0] =	vst v16;
	v16 =	vadd.s32 v21, v17  }
0x13f: {  	[tilespmem:s8+$0x0] =	vst v16;
	v16 =	vmov s11  }
0x140: {  	[tilespmem:s8+$0xFFFFFFE0] =	vst v19  }
0x141: {  	v32 =	vld.idx.msk [tilespmem:v23+s23+$0x0], $0xffff  }
0x142: {  	v31 =	vld.idx.msk [tilespmem:v22+s23+$0x0], $0xffff  }
0x143: {  	v28 =	vld.idx.msk [tilespmem:v18+s23+$0x0], $0xffff  }
0x144: {  	v25 =	vld.idx.msk [tilespmem:v16+s23+$0x0], $0xffff;
	_ =	sdelay $0x1  }
0x145: {  	v17 =	vadd.s32 v0, v32  }
0x146: {  	v24 =	vld.idx.msk [tilespmem:v16+s21+$0x0], $0xffff;
	v16 =	vadd.s32 v0, v31  }
0x147: {  	v30 =	vld.idx.msk [tilespmem:v23+s21+$0x0], $0xffff;
	v19 =	vadd.s32 v0, v28  }
0x148: {  	v27 =	vld.idx.msk [tilespmem:v22+s21+$0x0], $0xffff;
	v20 =	vadd.s32 v0, v25  }
0x149: {  	v26 =	vld.idx.msk [tilespmem:v18+s21+$0x0], $0xffff  }
0x14a: {  	v17 =	vld.idx.msk [tilespmem:v17+s3+$0x0], $0xffff  }
0x14b: {  	v16 =	vld.idx.msk [tilespmem:v16+s3+$0x0], $0xffff  }
0x14c: {  	v18 =	vld.idx.msk [tilespmem:v19+s3+$0x0], $0xffff  }
0x14d: {  	v21 =	vadd.s32 v1, v32;
	v19 =	vmul.f32 v30, v8;
	v20 =	vld.idx.msk [tilespmem:v20+s3+$0x0], $0xffff  }
0x14e: {  	v22 =	vmul.f32 v27, v8;
	v23 =	vadd.s32 v1, v31  }
0x14f: {  	v29 =	vadd.s32 v1, v28;
	v17 =	vadd.f32 v19, v17;
	v19 =	vmul.f32 v26, v8  }
0x150: {  	v33 =	vmul.f32 v24, v8;
	v34 =	vadd.s32 v1, v25;
	v16 =	vadd.f32 v22, v16  }
0x151: {  	[tilespmem:s1+$0x0] =	vst v17;
	v17 =	vadd.f32 v19, v18  }
0x152: {  	[tilespmem:s1+$0xFFFFFF80] =	vst v16;
	v16 =	vadd.f32 v33, v20;
	v18 =	vld.idx.msk [tilespmem:v21+s3+$0x0], $0xffff  }
0x153: {  	[tilespmem:s1+$0xFFFFFF00] =	vst v17;
	v17 =	vld.idx.msk [tilespmem:v23+s3+$0x0], $0xffff  }
0x154: {  	[tilespmem:s1+$0x80] =	vst v16;
	v19 =	vld.idx.msk [tilespmem:v29+s3+$0x0], $0xffff  }
0x155: {  	v20 =	vadd.s32 v2, v32;
	v16 =	vmul.f32 v30, v9;
	v21 =	vld.idx.msk [tilespmem:v34+s3+$0x0], $0xffff  }
0x156: {  	v22 =	vmul.f32 v27, v9  }
0x157: {  	v23 =	vadd.s32 v2, v31;
	v16 =	vadd.f32 v18, v16;
	v18 =	vmul.f32 v26, v9  }
0x158: {  	s16 =	simm.s32 $0x4;
	v58 =	vmul.f32 v24, v9;
	v29 =	vadd.s32 v2, v28;
	v17 =	vadd.f32 v17, v22  }
0x159: {  	s17 =	simm.s32 $0x7;
	v22 =	vmov s16;
	[tilespmem:s1+$0x10] =	vst v16;
	v16 =	vadd.s32 v2, v25;
	v18 =	vadd.f32 v19, v18  }
0x15a: {  	v19 =	vld.idx.msk [tilespmem:v20+s3+$0x0], $0xffff;
	v20 =	vmov s17;
	[tilespmem:s1+$0xFFFFFF90] =	vst v17;
	v17 =	vadd.f32 v21, v58;
	v21 =	vand.u32 $0xFFFFFFFC, v22  }
0x15b: {  	v21 =	vbroadcast v21, $0x0  }
0x15c: {  	s10 =	simm.s32 $0x6;
	[tilespmem:s1+$0xFFFFFF10] =	vst v18;
	v22 =	vld.idx.msk [tilespmem:v23+s3+$0x0], $0xffff  }
0x15d: {  	v38 =	vmov s10;
	v36 =	vmul.f32 v27, v10;
	v23 =	vld.idx.msk [tilespmem:v29+s3+$0x0], $0xffff;
	[tilespmem:s1+$0x90] =	vst v17;
	v17 =	vmul.f32 v30, v10  }
0x15e: {  	v37 =	vadd.s32 v3, v31;
	v59 =	vmul.f32 v24, v10;
	v29 =	vadd.s32 v3, v32;
	v35 =	vld.idx.msk [tilespmem:v16+s3+$0x0], $0xffff  }
0x15f: {  	s9 =	simm.s32 $0x5;
	v60 =	vmul.f32 v26, v10;
	v39 =	vadd.s32 v3, v28;
	v17 =	vadd.f32 v19, v17;
	v16 =	vld.idx.msk [tilespmem:v20+s21+$0x0], $0xffff  }
0x160: {  	v61 =	vadd.s32 v3, v25;
	v19 =	vmov s9;
	v18 =	vld.idx.msk [tilespmem:v20+s23+$0x0], $0xffff;
	v20 =	vand.u32 $0xFFFFFFFE, v38  }
0x161: {  	v22 =	vadd.f32 v22, v36;
	v19 =	vand.u32 $0xFFFFFFFD, v19;
	v20 =	vbroadcast v20, $0x0;
	[tilespmem:s1+$0x20] =	vst v17;
	v17 =	vld.idx.msk [tilespmem:v21+s21+$0x0], $0xffff  }
0x162: {  	v23 =	vadd.f32 v23, v60;
	v62 =	vbroadcast v19, $0x0;
	v21 =	vld.idx.msk [tilespmem:v21+s23+$0x0], $0xffff  }
0x163: {  	v45 =	vadd.s32 v4, v32;
	v29 =	vld.idx.msk [tilespmem:v29+s3+$0x0], $0xffff;
	[tilespmem:s1+$0xFFFFFFA0] =	vst v22;
	v19 =	vadd.f32 v35, v59  }
0x164: {  	v46 =	vmul.f32 v27, v11;
	v47 =	vadd.s32 v4, v31;
	[tilespmem:s1+$0xFFFFFF20] =	vst v23;
	v22 =	vld.idx.msk [tilespmem:v37+s3+$0x0], $0xffff  }
0x165: {  	v53 =	vadd.s32 v5, v32;
	v43 =	vmul.f32 v27, v12;
	v63 =	vld.idx.msk [tilespmem:v39+s3+$0x0], $0xffff;
	[tilespmem:s1+$0xA0] =	vst v19  }
0x166: {  	v44 =	vadd.s32 v5, v31;
	v48 =	vmul.f32 v26, v11;
	v19 =	vmul.f32 v30, v11;
	v36 =	vld.idx.msk [tilespmem:v61+s3+$0x0], $0xffff  }
0x167: {  	v40 =	vadd.s32 v4, v28;
	v41 =	vadd.s32 v4, v25;
	v56 =	vadd.s32 v5, v25;
	v23 =	vld.idx.msk [tilespmem:v20+s23+$0x0], $0xffff  }
0x168: {  	v57 =	vmul.f32 v24, v13;
	v58 =	vmul.f32 v26, v13;
	v29 =	vadd.f32 v29, v19;
	v19 =	vld.idx.msk [tilespmem:v62+s23+$0x0], $0xffff  }
0x169: {  	v42 =	vadd.s32 v0, v18;
	v49 =	vadd.s32 v0, v21;
	v20 =	vld.idx.msk [tilespmem:v20+s21+$0x0], $0xffff;
	v37 =	vadd.f32 v22, v46  }
0x16a: {  	v22 =	vld.idx.msk [tilespmem:v62+s21+$0x0], $0xffff;
	[tilespmem:s1+$0x30] =	vst v29;
	v29 =	vmul.f32 v24, v11;
	v33 =	vadd.f32 v63, v48  }
0x16b: {  	v39 =	vadd.s32 v1, v18;
	v61 =	vadd.s32 v1, v21;
	v35 =	vld.idx.msk [tilespmem:v45+s3+$0x0], $0xffff;
	[tilespmem:s1+$0xFFFFFFB0] =	vst v37  }
0x16c: {  	v29 =	vadd.f32 v36, v29;
	[tilespmem:s1+$0xFFFFFF30] =	vst v33;
	v50 =	vld.idx.msk [tilespmem:v47+s3+$0x0], $0xffff;
	v51 =	vadd.s32 v0, v23  }
0x16d: {  	v46 =	vadd.s32 v5, v28;
	v62 =	vadd.s32 v6, v31;
	v52 =	vld.idx.msk [tilespmem:v40+s3+$0x0], $0xffff;
	v55 =	vadd.s32 v0, v19  }
0x16e: {  	s11 =	simm.s32 $0xB;
	v45 =	vmul.f32 v26, v12;
	v34 =	vld.idx.msk [tilespmem:v49+s3+$0x0], $0xffff;
	[tilespmem:s1+$0xB0] =	vst v29;
	v29 =	vmul.f32 v30, v12  }
0x16f: {  	v48 =	vmov s11;
	v47 =	vmul.f32 v24, v12;
	v49 =	vmul.f32 v16, v8;
	v54 =	vld.idx.msk [tilespmem:v41+s3+$0x0], $0xffff  }
0x170: {  	v59 =	vmul.f32 v20, v8;
	v60 =	vadd.s32 v1, v23;
	v41 =	vld.idx.msk [tilespmem:v42+s3+$0x0], $0xffff;
	v35 =	vadd.f32 v35, v29  }
0x171: {  	v42 =	vmul.f32 v24, v14;
	v29 =	vadd.s32 v7, v25;
	v36 =	vld.idx.msk [tilespmem:v51+s3+$0x0], $0xffff;
	v33 =	vadd.f32 v50, v43  }
0x172: {  	v50 =	vmul.f32 v17, v8;
	[tilespmem:s1+$0x40] =	vst v35;
	v37 =	vadd.f32 v52, v45;
	v40 =	vld.idx.msk [tilespmem:v55+s3+$0x0], $0xffff  }
0x173: {  	v51 =	vmul.f32 v30, v13;
	v43 =	vmul.f32 v30, v15;
	v38 =	vld.idx.msk [tilespmem:v53+s3+$0x0], $0xffff;
	[tilespmem:s1+$0xFFFFFFC0] =	vst v33  }
0x174: {  	v45 =	vadd.s32 v6, v25;
	v25 =	vadd.f32 v54, v47;
	[tilespmem:s1+$0xFFFFFF40] =	vst v37;
	v33 =	vld.idx.msk [tilespmem:v44+s3+$0x0], $0xffff  }
0x175: {  	v52 =	vadd.s32 v6, v32;
	v53 =	vmul.f32 v22, v8;
	v34 =	vadd.f32 v50, v34;
	v46 =	vld.idx.msk [tilespmem:v46+s3+$0x0], $0xffff  }
0x176: {  	s8 =	simm.s32 $0x10200;
	v55 =	vmul.f32 v27, v13;
	[tilespmem:s1+$0xC0] =	vst v25;
	v36 =	vadd.f32 v59, v36;
	v25 =	vld.idx.msk [tilespmem:v48+s21+$0x0], $0xffff  }
0x177: {  	v54 =	vadd.s32 v1, v19;
	[tilespmem:s8+$0xFFFFFF00] =	vst v34;
	v35 =	vld.idx.msk [tilespmem:v56+s3+$0x0], $0xffff;
	v40 =	vadd.f32 v53, v40  }
0x178: {  	v32 =	vadd.s32 v7, v32;
	v56 =	vld.idx.msk [tilespmem:v61+s3+$0x0], $0xffff;
	v38 =	vadd.f32 v38, v51;
	[tilespmem:s8+$0x0] =	vst v36  }
0x179: {  	v59 =	vadd.s32 v2, v23;
	v53 =	vadd.f32 v49, v41;
	v47 =	vld.idx.msk [tilespmem:v60+s3+$0x0], $0xffff;
	[tilespmem:s8+$0xFFFFFF80] =	vst v40  }
0x17a: {  	v61 =	vadd.s32 v2, v19;
	v41 =	vadd.s32 v3, v23;
	v36 =	vadd.s32 v6, v28;
	[tilespmem:s1+$0x50] =	vst v38  }
0x17b: {  	v63 =	vadd.f32 v33, v55;
	v33 =	vmul.f32 v16, v10;
	[tilespmem:s8+$0x80] =	vst v53;
	v40 =	vld.idx.msk [tilespmem:v52+s3+$0x0], $0xffff  }
0x17c: {  	v60 =	vmul.f32 v30, v14;
	v37 =	vadd.f32 v46, v58;
	v55 =	vld.idx.msk [tilespmem:v54+s3+$0x0], $0xffff;
	v58 =	vmul.f32 v20, v9  }
0x17d: {  	v38 =	vmul.f32 v16, v9;
	v39 =	vld.idx.msk [tilespmem:v39+s3+$0x0], $0xffff;
	[tilespmem:s1+$0xFFFFFFD0] =	vst v63;
	v35 =	vadd.f32 v35, v57  }
0x17e: {  	v54 =	vadd.s32 v2, v18;
	[tilespmem:s1+$0xFFFFFF50] =	vst v37;
	v37 =	vld.idx.msk [tilespmem:v62+s3+$0x0], $0xffff;
	v44 =	vadd.f32 v47, v58  }
0x17f: {  	v57 =	vmul.f32 v22, v9;
	v62 =	vmul.f32 v17, v9;
	v47 =	vld.idx.msk [tilespmem:v36+s3+$0x0], $0xffff;
	[tilespmem:s1+$0xD0] =	vst v35  }
0x180: {  	v63 =	vadd.s32 v2, v21;
	v45 =	vld.idx.msk [tilespmem:v45+s3+$0x0], $0xffff;
	v53 =	vadd.f32 v40, v60;
	[tilespmem:s8+$0x10] =	vst v44  }
0x181: {  	v35 =	vadd.f32 v56, v62;
	v56 =	vmul.f32 v27, v14;
	v34 =	vadd.f32 v55, v57;
	v46 =	vld.idx.msk [tilespmem:v59+s3+$0x0], $0xffff  }
0x182: {  	s16 =	simm.s32 $0x8;
	v59 =	vadd.s32 v7, v31;
	v31 =	vadd.s32 v7, v28;
	v28 =	vld.idx.msk [tilespmem:v48+s23+$0x0], $0xffff;
	[tilespmem:s1+$0x60] =	vst v53  }
0x183: {  	v55 =	vmul.f32 v26, v14;
	v57 =	vmov s16;
	v58 =	vadd.f32 v39, v38;
	[tilespmem:s8+$0xFFFFFF90] =	vst v34;
	v36 =	vld.idx.msk [tilespmem:v32+s3+$0x0], $0xffff  }
0x184: {  	v39 =	vmul.f32 v17, v10;
	v60 =	vand.u32 $0xFFFFFFFC, v57;
	[tilespmem:s8+$0xFFFFFF10] =	vst v35;
	v38 =	vld.idx.msk [tilespmem:v61+s3+$0x0], $0xffff;
	v61 =	vadd.f32 v37, v56  }
0x185: {  	v35 =	vbroadcast v60, $0x0;
	[tilespmem:s8+$0x90] =	vst v58;
	v37 =	vld.idx.msk [tilespmem:v63+s3+$0x0], $0xffff;
	v63 =	vmul.f32 v20, v10;
	v62 =	vadd.f32 v47, v55  }
0x186: {  	s17 =	simm.s32 $0x9;
	v44 =	vmul.f32 v22, v10;
	v40 =	vld.idx.msk [tilespmem:v54+s3+$0x0], $0xffff;
	v45 =	vadd.f32 v45, v42;
	[tilespmem:s1+$0xFFFFFFE0] =	vst v61  }
0x187: {  	s10 =	simm.s32 $0xA;
	s9 =	simm.s32 $0xC;
	v30 =	vmov s17;
	v42 =	vadd.s32 v3, v19;
	[tilespmem:s1+$0xFFFFFF60] =	vst v62;
	v46 =	vadd.f32 v46, v63;
	v34 =	vld.idx.msk [tilespmem:v59+s3+$0x0], $0xffff  }
.LBB2_9:
0x188: {  	p0 =	slt.u32 s9, $0x13C;
	v32 =	vmov s10;
	v47 =	vadd.s32 v3, v21;
	v31 =	vld.idx.msk [tilespmem:v31+s3+$0x0], $0xffff;
	v36 =	vadd.f32 v36, v43;
	[tilespmem:s1+$0xE0] =	vst v45  }
0x189: {  	v38 =	vadd.f32 v38, v44;
	v43 =	vadd.s32 v3, v18;
	v32 =	vand.u32 $0xFFFFFFFE, v32;
	[tilespmem:s8+$0x20] =	vst v46;
	v29 =	vld.idx.msk [tilespmem:v29+s3+$0x0], $0xffff  }
0x18a: {  	v30 =	vand.u32 $0xFFFFFFFD, v30;
	v37 =	vadd.f32 v37, v39;
	v32 =	vbroadcast v32, $0x0;
	v39 =	vld.idx.msk [tilespmem:v41+s3+$0x0], $0xffff;
	[tilespmem:s1+$0x70] =	vst v36  }
0x18b: {  	v41 =	vbroadcast v30, $0x0;
	v30 =	vadd.f32 v40, v33;
	v33 =	vmul.f32 v27, v15;
	v36 =	vld.idx.msk [tilespmem:v35+s21+$0x0], $0xffff;
	[tilespmem:s8+$0xFFFFFFA0] =	vst v38  }
0x18c: {  	v27 =	vmov v22;
	v38 =	vmul.f32 v26, v15;
	v26 =	vmov v17;
	[tilespmem:s8+$0xFFFFFF20] =	vst v37;
	v37 =	vld.idx.msk [tilespmem:v42+s3+$0x0], $0xffff  }
0x18d: {  	v17 =	vadd.f32 v34, v33;
	v33 =	vmul.f32 v24, v15;
	v24 =	vmov v16;
	v22 =	vld.idx.msk [tilespmem:v47+s3+$0x0], $0xffff;
	[tilespmem:s8+$0xA0] =	vst v30  }
0x18e: {  	v40 =	vadd.s32 v4, v23;
	v34 =	vmul.f32 v20, v11;
	v31 =	vadd.f32 v31, v38;
	v42 =	vld.idx.msk [tilespmem:v43+s3+$0x0], $0xffff  }
0x18f: {  	v16 =	vmov v25;
	v38 =	vmul.f32 v27, v11;
	v43 =	vadd.f32 v29, v33;
	v30 =	vld.idx.msk [tilespmem:v35+s23+$0x0], $0xffff;
	[tilespmem:s1+$0xFFFFFFF0] =	vst v17  }
0x190: {  	v25 =	vadd.s32 v4, v19;
	v29 =	vadd.f32 v39, v34;
	v35 =	vld.idx.msk [tilespmem:v32+s23+$0x0], $0xffff;
	[tilespmem:s1+$0xFFFFFF70] =	vst v31  }
0x191: {  	v33 =	vmul.f32 v26, v11;
	v34 =	vadd.s32 v4, v21;
	v17 =	vmov v36;
	v31 =	vld.idx.msk [tilespmem:v41+s23+$0x0], $0xffff;
	[tilespmem:s1+$0xF0] =	vst v43;
	s1 =	smov.u32 s8  }
0x192: {  	v36 =	vadd.f32 v37, v38;
	v37 =	vadd.s32 v4, v18;
	[tilespmem:s8+$0x30] =	vst v29;
	v29 =	vmul.f32 v24, v11  }
0x193: {  	v38 =	vadd.s32 v0, v28;
	v33 =	vadd.f32 v22, v33;
	v39 =	vld.idx.msk [tilespmem:v40+s3+$0x0], $0xffff  }
0x194: {  	v22 =	vld.idx.msk [tilespmem:v41+s21+$0x0], $0xffff;
	[tilespmem:s8+$0xFFFFFFB0] =	vst v36;
	v29 =	vadd.f32 v42, v29  }
0x195: {  	v36 =	vadd.s32 v0, v30;
	[tilespmem:s8+$0xFFFFFF30] =	vst v33;
	v25 =	vld.idx.msk [tilespmem:v25+s3+$0x0], $0xffff  }
0x196: {  	v33 =	vadd.s32 v0, v35;
	v40 =	vld.idx.msk [tilespmem:v34+s3+$0x0], $0xffff;
	[tilespmem:s8+$0xB0] =	vst v29  }
0x197: {  	v41 =	vmul.f32 v20, v12;
	v42 =	vadd.s32 v5, v23;
	v37 =	vld.idx.msk [tilespmem:v37+s3+$0x0], $0xffff  }
0x198: {  	v43 =	vadd.s32 v0, v31;
	v34 =	vmul.f32 v24, v14;
	v29 =	vadd.s32 v7, v18;
	v38 =	vld.idx.msk [tilespmem:v38+s3+$0x0], $0xffff  }
0x199: {  	v45 =	vadd.s32 v5, v19;
	v44 =	vmul.f32 v27, v12;
	v39 =	vadd.f32 v39, v41;
	v32 =	vld.idx.msk [tilespmem:v32+s21+$0x0], $0xffff  }
0x19a: {  	v46 =	vadd.s32 v5, v21;
	v47 =	vmul.f32 v24, v12;
	v41 =	vmul.f32 v26, v12;
	v36 =	vld.idx.msk [tilespmem:v36+s3+$0x0], $0xffff  }
0x19b: {  	v25 =	vadd.f32 v25, v44;
	v33 =	vld.idx.msk [tilespmem:v33+s3+$0x0], $0xffff;
	[tilespmem:s8+$0x40] =	vst v39;
	v39 =	vadd.s32 v5, v18  }
0x19c: {  	s10 =	sadd.s32 $0x3, s9;
	v44 =	vadd.s32 v6, v18;
	v40 =	vadd.f32 v40, v41;
	v41 =	vld.idx.msk [tilespmem:v42+s3+$0x0], $0xffff;
	v42 =	vmul.f32 v24, v13  }
0x19d: {  	v48 =	vmov s10;
	v49 =	vmul.f32 v16, v8;
	v18 =	vmovc v28;
	v43 =	vld.idx.msk [tilespmem:v43+s3+$0x0], $0xffff;
	[tilespmem:s8+$0xFFFFFFC0] =	vst v25;
	v25 =	vadd.f32 v37, v47  }
0x19e: {  	v28 =	vadd.s32 v1, v18;
	v37 =	vmul.f32 v26, v13;
	[tilespmem:s8+$0xFFFFFF40] =	vst v40;
	v40 =	vld.idx.msk [tilespmem:v45+s3+$0x0], $0xffff  }
0x19f: {  	v47 =	vadd.s32 v1, v35;
	v45 =	vmul.f32 v32, v8;
	v46 =	vld.idx.msk [tilespmem:v46+s3+$0x0], $0xffff;
	[tilespmem:s8+$0xC0] =	vst v25  }
0x1a0: {  	v51 =	vmul.f32 v20, v13;
	v52 =	vadd.s32 v6, v23;
	v50 =	vmul.f32 v17, v8;
	v39 =	vld.idx.msk [tilespmem:v39+s3+$0x0], $0xffff  }
0x1a1: {  	v54 =	vadd.s32 v1, v31;
	v53 =	vmul.f32 v22, v8;
	v33 =	vadd.f32 v45, v33  }
0x1a2: {  	v55 =	vmul.f32 v27, v13;
	s8 =	sadd.s32 $0x200, s8;
	v45 =	vadd.s32 v1, v30;
	v41 =	vadd.f32 v41, v51;
	v25 =	vld.idx.msk [tilespmem:v48+s21+$0x0], $0xffff  }
0x1a3: {  	v51 =	vadd.s32 v6, v21;
	v43 =	vadd.f32 v53, v43;
	v53 =	vadd.s32 v6, v19;
	[tilespmem:s8+$0x0] =	vst v33  }
0x1a4: {  	v33 =	vadd.f32 v50, v36;
	v40 =	vadd.f32 v40, v55;
	v36 =	vld.idx.msk [tilespmem:v47+s3+$0x0], $0xffff;
	[tilespmem:s1+$0x50] =	vst v41  }
0x1a5: {  	v38 =	vadd.f32 v49, v38;
	v37 =	vadd.f32 v46, v37;
	[tilespmem:s8+$0xFFFFFF80] =	vst v43;
	v41 =	vld.idx.msk [tilespmem:v52+s3+$0x0], $0xffff  }
0x1a6: {  	v39 =	vadd.f32 v39, v42;
	[tilespmem:s8+$0xFFFFFF00] =	vst v33;
	v43 =	vld.idx.msk [tilespmem:v54+s3+$0x0], $0xffff;
	v33 =	vmul.f32 v16, v10  }
0x1a7: {  	v42 =	vld.idx.msk [tilespmem:v45+s3+$0x0], $0xffff;
	v45 =	vmul.f32 v22, v9;
	[tilespmem:s8+$0x80] =	vst v38;
	v38 =	vmul.f32 v16, v9  }
0x1a8: {  	v46 =	vmul.f32 v32, v9;
	v47 =	vadd.s32 v2, v35;
	v28 =	vld.idx.msk [tilespmem:v28+s3+$0x0], $0xffff;
	[tilespmem:s1+$0xFFFFFFD0] =	vst v40  }
0x1a9: {  	v49 =	vadd.s32 v7, v23;
	v23 =	vmov v35;
	v40 =	vmul.f32 v20, v14;
	[tilespmem:s1+$0xFFFFFF50] =	vst v37;
	v37 =	vld.idx.msk [tilespmem:v53+s3+$0x0], $0xffff  }
0x1aa: {  	v35 =	vadd.s32 v2, v31;
	v36 =	vadd.f32 v36, v46;
	v46 =	vld.idx.msk [tilespmem:v51+s3+$0x0], $0xffff;
	[tilespmem:s1+$0xD0] =	vst v39  }
0x1ab: {  	v50 =	vadd.s32 v2, v30;
	v39 =	vmul.f32 v17, v9;
	v40 =	vadd.f32 v41, v40;
	v44 =	vld.idx.msk [tilespmem:v44+s3+$0x0], $0xffff  }
0x1ac: {  	v41 =	vadd.f32 v43, v45;
	v43 =	vadd.s32 v2, v18;
	v45 =	vmul.f32 v26, v14;
	[tilespmem:s8+$0x10] =	vst v36  }
0x1ad: {  	v39 =	vadd.f32 v42, v39;
	v42 =	vmul.f32 v27, v14;
	v47 =	vld.idx.msk [tilespmem:v47+s3+$0x0], $0xffff;
	[tilespmem:s1+$0x60] =	vst v40  }
0x1ae: {  	v51 =	vadd.s32 v7, v19;
	v19 =	vmovc v31;
	v40 =	vmov s9;
	v28 =	vadd.f32 v28, v38;
	[tilespmem:s8+$0xFFFFFF90] =	vst v41;
	v36 =	vld.idx.msk [tilespmem:v49+s3+$0x0], $0xffff  }
.Ltmp3:
0x1af: {  	v31 =	vadd.s32 v7, v21;
	v40 =	vand.u32 $0xFFFFFFFC, v40;
	v42 =	vadd.f32 v37, v42;
	[tilespmem:s8+$0xFFFFFF10] =	vst v39;
	v38 =	vld.idx.msk [tilespmem:v35+s3+$0x0], $0xffff;
	(pc) =	sbr.rel @p0 .LBB2_9-.Ltmp3, $4  }
0x1b0: {  	v35 =	vbroadcast v40, $0x0;
	v39 =	vmul.f32 v17, v10;
	v49 =	vadd.f32 v46, v45;
	v37 =	vld.idx.msk [tilespmem:v50+s3+$0x0], $0xffff;
	[tilespmem:s8+$0x90] =	vst v28  }
0x1b1: {  	v41 =	vadd.s32 v3, v23;
	v46 =	vmul.f32 v32, v10;
	v45 =	vadd.f32 v44, v34;
	v40 =	vld.idx.msk [tilespmem:v43+s3+$0x0], $0xffff  }
0x1b2: {  	s10 =	sadd.s32 $0x1, s9;
	v21 =	vmov v30;
	v44 =	vmul.f32 v22, v10;
	v43 =	vmul.f32 v20, v15;
	v28 =	vld.idx.msk [tilespmem:v48+s23+$0x0], $0xffff;
	[tilespmem:s1+$0xFFFFFFE0] =	vst v42  }
0x1b3: {  	v30 =	vmov s10;
	s10 =	sadd.s32 $0x2, s9;
	s9 =	sadd.s32 $0x4, s9;
	v20 =	vmovc v32;
	v42 =	vadd.s32 v3, v19;
	v46 =	vadd.f32 v47, v46;
	[tilespmem:s1+$0xFFFFFF60] =	vst v49;
	v34 =	vld.idx.msk [tilespmem:v51+s3+$0x0], $0xffff  }
0x1b4: {  	v32 =	vmov s10  }
0x1b5: {  	v32 =	vand.u32 $0xFFFFFFFE, v32  }
0x1b6: {  	v30 =	vand.u32 $0xFFFFFFFD, v30;
	v47 =	vbroadcast v32, $0x0  }
0x1b7: {  	v48 =	vbroadcast v30, $0x0;
	_ =	sdelay $0x1  }
0x1b8: {  	v49 =	vld.idx.msk [tilespmem:v31+s3+$0x0], $0xffff;
	[tilespmem:s1+$0xE0] =	vst v45  }
0x1b9: {  	v45 =	vld.idx.msk [tilespmem:v29+s3+$0x0], $0xffff  }
0x1ba: {  	v50 =	vadd.s32 v3, v21;
	v30 =	vld.idx.msk [tilespmem:v35+s23+$0x0], $0xffff  }
0x1bb: {  	v32 =	vld.idx.msk [tilespmem:v47+s23+$0x0], $0xffff  }
0x1bc: {  	v57 =	vadd.s32 v3, v18;
	v37 =	vadd.f32 v37, v39;
	v31 =	vld.idx.msk [tilespmem:v48+s23+$0x0], $0xffff  }
0x1bd: {  	v38 =	vadd.f32 v38, v44;
	[tilespmem:s8+$0x20] =	vst v46;
	v29 =	vld.idx.msk [tilespmem:v35+s21+$0x0], $0xffff  }
0x1be: {  	v58 =	vld.idx.msk [tilespmem:v41+s3+$0x0], $0xffff;
	v33 =	vadd.f32 v40, v33;
	[tilespmem:s8+$0xFFFFFF20] =	vst v37  }
0x1bf: {  	[tilespmem:s8+$0xFFFFFFA0] =	vst v38;
	v38 =	vld.idx.msk [tilespmem:v50+s3+$0x0], $0xffff;
	v50 =	vadd.s32 v0, v28  }
0x1c0: {  	v59 =	vld.idx.msk [tilespmem:v42+s3+$0x0], $0xffff;
	[tilespmem:s8+$0xA0] =	vst v33;
	v60 =	vadd.s32 v0, v32  }
0x1c1: {  	v41 =	vld.idx.msk [tilespmem:v57+s3+$0x0], $0xffff;
	v61 =	vadd.s32 v0, v31  }
0x1c2: {  	v62 =	vmul.f32 v27, v15;
	v51 =	vmul.f32 v26, v15;
	v63 =	vadd.s32 v0, v30;
	v26 =	vld.idx.msk [tilespmem:v48+s21+$0x0], $0xffff  }
0x1c3: {  	v36 =	vadd.f32 v36, v43;
	v24 =	vmul.f32 v24, v15;
	v27 =	vld.idx.msk [tilespmem:v47+s21+$0x0], $0xffff  }
0x1c4: {  	v52 =	vmul.f32 v20, v11;
	v53 =	vadd.s32 v4, v23;
	v34 =	vadd.f32 v34, v62;
	v56 =	vld.idx.msk [tilespmem:v50+s3+$0x0], $0xffff  }
0x1c5: {  	v54 =	vmul.f32 v22, v11;
	[tilespmem:s1+$0x70] =	vst v36;
	v36 =	vadd.f32 v49, v51;
	v37 =	vld.idx.msk [tilespmem:v60+s3+$0x0], $0xffff  }
0x1c6: {  	v49 =	vadd.s32 v1, v28;
	[tilespmem:s1+$0xFFFFFFF0] =	vst v34;
	v24 =	vadd.f32 v45, v24;
	v33 =	vld.idx.msk [tilespmem:v61+s3+$0x0], $0xffff  }
0x1c7: {  	v39 =	vadd.f32 v58, v52;
	v52 =	vadd.s32 v4, v21;
	v50 =	vmul.f32 v17, v11;
	v55 =	vld.idx.msk [tilespmem:v63+s3+$0x0], $0xffff  }
0x1c8: {  	v34 =	vadd.s32 v4, v19;
	[tilespmem:s1+$0xFFFFFF70] =	vst v36;
	v57 =	vmul.f32 v27, v8;
	v58 =	vadd.s32 v1, v32  }
0x1c9: {  	[tilespmem:s1+$0xF0] =	vst v24;
	v35 =	vadd.f32 v38, v50;
	v61 =	vadd.s32 v1, v31;
	v60 =	vmul.f32 v26, v8  }
0x1ca: {  	v62 =	vmul.f32 v29, v8;
	[tilespmem:s8+$0x30] =	vst v39;
	v63 =	vadd.s32 v1, v30;
	v37 =	vadd.f32 v57, v37  }
0x1cb: {  	s17 =	sadd.s32 $0x200, s8;
	v48 =	vmul.f32 v25, v8;
	v44 =	vld.idx.msk [tilespmem:v53+s3+$0x0], $0xffff;
	[tilespmem:s8+$0xFFFFFF30] =	vst v35;
	v33 =	vadd.f32 v60, v33  }
0x1cc: {  	v59 =	vadd.f32 v59, v54;
	v39 =	vld.idx.msk [tilespmem:v52+s3+$0x0], $0xffff;
	v51 =	vadd.f32 v62, v55;
	[tilespmem:s17+$0x0] =	vst v37  }
0x1cd: {  	v54 =	vmul.f32 v16, v11;
	v24 =	vadd.f32 v48, v56;
	[tilespmem:s17+$0xFFFFFF80] =	vst v33;
	v53 =	vld.idx.msk [tilespmem:v58+s3+$0x0], $0xffff  }
0x1ce: {  	v56 =	vadd.s32 v4, v18;
	[tilespmem:s17+$0xFFFFFF00] =	vst v51;
	v55 =	vld.idx.msk [tilespmem:v61+s3+$0x0], $0xffff  }
0x1cf: {  	v52 =	vmul.f32 v20, v12;
	[tilespmem:s17+$0x80] =	vst v24;
	v57 =	vld.idx.msk [tilespmem:v63+s3+$0x0], $0xffff;
	v58 =	vadd.f32 v41, v54  }
0x1d0: {  	[tilespmem:s8+$0xFFFFFFB0] =	vst v59;
	v59 =	vmul.f32 v27, v9;
	v60 =	vadd.s32 v2, v32;
	v61 =	vld.idx.msk [tilespmem:v49+s3+$0x0], $0xffff  }
0x1d1: {  	v62 =	vmul.f32 v26, v9;
	v63 =	vadd.s32 v2, v31;
	[tilespmem:s8+$0xB0] =	vst v58;
	v58 =	vadd.f32 v44, v52  }
0x1d2: {  	v34 =	vld.idx.msk [tilespmem:v34+s3+$0x0], $0xffff;
	v48 =	vmul.f32 v29, v9;
	v49 =	vadd.s32 v2, v30;
	v33 =	vadd.f32 v53, v59  }
0x1d3: {  	v50 =	vmul.f32 v25, v9;
	v51 =	vadd.s32 v2, v28;
	v35 =	vadd.f32 v55, v62;
	[tilespmem:s8+$0x40] =	vst v58  }
0x1d4: {  	v54 =	vadd.s32 v5, v23;
	v37 =	vld.idx.msk [tilespmem:v56+s3+$0x0], $0xffff;
	v53 =	vadd.f32 v57, v48;
	[tilespmem:s17+$0x10] =	vst v33  }
0x1d5: {  	v56 =	vmul.f32 v22, v12;
	v24 =	vadd.f32 v61, v50;
	[tilespmem:s17+$0xFFFFFF90] =	vst v35;
	v55 =	vld.idx.msk [tilespmem:v60+s3+$0x0], $0xffff  }
0x1d6: {  	v41 =	vadd.s32 v5, v19;
	v58 =	vadd.s32 v5, v18;
	[tilespmem:s17+$0xFFFFFF10] =	vst v53;
	v57 =	vld.idx.msk [tilespmem:v63+s3+$0x0], $0xffff  }
0x1d7: {  	v34 =	vadd.f32 v34, v56;
	v56 =	vmul.f32 v16, v12;
	[tilespmem:s17+$0x90] =	vst v24;
	v59 =	vld.idx.msk [tilespmem:v49+s3+$0x0], $0xffff  }
0x1d8: {  	v52 =	vmul.f32 v29, v10;
	v61 =	vadd.s32 v3, v32;
	v36 =	vld.idx.msk [tilespmem:v51+s3+$0x0], $0xffff;
	v60 =	vmul.f32 v27, v10  }
0x1d9: {  	v62 =	vmul.f32 v26, v10;
	v38 =	vld.idx.msk [tilespmem:v54+s3+$0x0], $0xffff;
	v63 =	vadd.s32 v3, v31;
	v37 =	vadd.f32 v37, v56  }
0x1da: {  	v54 =	vmul.f32 v25, v10;
	v53 =	vadd.s32 v3, v30;
	[tilespmem:s8+$0xFFFFFFC0] =	vst v34;
	v40 =	vadd.f32 v55, v60  }
0x1db: {  	v41 =	vld.idx.msk [tilespmem:v41+s3+$0x0], $0xffff;
	[tilespmem:s8+$0xC0] =	vst v37;
	v33 =	vadd.f32 v57, v62;
	v55 =	vadd.s32 v3, v28  }
0x1dc: {  	v44 =	vld.idx.msk [tilespmem:v58+s3+$0x0], $0xffff;
	v57 =	vadd.f32 v59, v52;
	[tilespmem:s17+$0x20] =	vst v40  }
0x1dd: {  	v59 =	vadd.f32 v36, v54;
	[tilespmem:s17+$0xFFFFFFA0] =	vst v33;
	v46 =	vld.idx.msk [tilespmem:v61+s3+$0x0], $0xffff  }
0x1de: {  	v43 =	vmul.f32 v17, v12;
	v47 =	vmul.f32 v27, v11;
	[tilespmem:s17+$0xFFFFFF20] =	vst v57;
	v61 =	vld.idx.msk [tilespmem:v63+s3+$0x0], $0xffff  }
0x1df: {  	v24 =	vadd.s32 v5, v21;
	v58 =	vmul.f32 v22, v13;
	[tilespmem:s17+$0xA0] =	vst v59;
	v63 =	vld.idx.msk [tilespmem:v53+s3+$0x0], $0xffff  }
0x1e0: {  	v50 =	vadd.s32 v4, v31;
	v48 =	vadd.s32 v4, v32;
	v60 =	vadd.f32 v39, v43;
	v35 =	vld.idx.msk [tilespmem:v55+s3+$0x0], $0xffff  }
0x1e1: {  	v51 =	vmul.f32 v29, v11;
	v49 =	vmul.f32 v26, v11;
	v37 =	vadd.f32 v41, v58  }
0x1e2: {  	v62 =	vmul.f32 v20, v13;
	v52 =	vadd.s32 v4, v30;
	[tilespmem:s8+$0xFFFFFF40] =	vst v60;
	v33 =	vadd.f32 v46, v47  }
0x1e3: {  	v54 =	vmul.f32 v25, v11;
	[tilespmem:s8+$0xFFFFFFD0] =	vst v37;
	v55 =	vadd.s32 v4, v28;
	v53 =	vadd.f32 v61, v49  }
0x1e4: {  	v60 =	vadd.s32 v6, v19;
	v24 =	vld.idx.msk [tilespmem:v24+s3+$0x0], $0xffff;
	v57 =	vadd.f32 v63, v51;
	[tilespmem:s17+$0x30] =	vst v33  }
0x1e5: {  	v56 =	vadd.s32 v6, v23;
	[tilespmem:s17+$0xFFFFFFB0] =	vst v53;
	v35 =	vadd.f32 v35, v54;
	v34 =	vld.idx.msk [tilespmem:v48+s3+$0x0], $0xffff  }
0x1e6: {  	v36 =	vmul.f32 v16, v13;
	v38 =	vadd.f32 v38, v62;
	[tilespmem:s17+$0xFFFFFF30] =	vst v57;
	v61 =	vld.idx.msk [tilespmem:v50+s3+$0x0], $0xffff  }
0x1e7: {  	v62 =	vadd.s32 v6, v21;
	v59 =	vmul.f32 v17, v13;
	v63 =	vld.idx.msk [tilespmem:v52+s3+$0x0], $0xffff;
	[tilespmem:s17+$0xB0] =	vst v35  }
0x1e8: {  	[tilespmem:s8+$0x50] =	vst v38;
	v49 =	vadd.s32 v5, v32;
	v48 =	vmul.f32 v27, v12;
	v40 =	vld.idx.msk [tilespmem:v55+s3+$0x0], $0xffff  }
0x1e9: {  	v39 =	vld.idx.msk [tilespmem:v60+s3+$0x0], $0xffff;
	v24 =	vadd.f32 v24, v59;
	v51 =	vmul.f32 v26, v12;
	v52 =	vadd.s32 v5, v31  }
0x1ea: {  	v54 =	vmul.f32 v29, v12;
	v50 =	vld.idx.msk [tilespmem:v56+s3+$0x0], $0xffff;
	v55 =	vadd.s32 v5, v30;
	v53 =	vadd.f32 v34, v48  }
0x1eb: {  	[tilespmem:s8+$0xFFFFFF50] =	vst v24;
	v57 =	vadd.s32 v5, v28;
	v56 =	vmul.f32 v25, v12;
	v33 =	vadd.f32 v61, v51  }
0x1ec: {  	v58 =	vadd.s32 v6, v18;
	v42 =	vld.idx.msk [tilespmem:v62+s3+$0x0], $0xffff;
	v59 =	vadd.f32 v63, v54;
	[tilespmem:s17+$0x40] =	vst v53  }
0x1ed: {  	v60 =	vmul.f32 v20, v14;
	[tilespmem:s17+$0xFFFFFFC0] =	vst v33;
	v61 =	vadd.f32 v40, v56;
	v38 =	vld.idx.msk [tilespmem:v49+s3+$0x0], $0xffff  }
0x1ee: {  	v43 =	vadd.s32 v7, v18;
	v36 =	vadd.f32 v44, v36;
	[tilespmem:s17+$0xFFFFFF40] =	vst v59;
	v62 =	vld.idx.msk [tilespmem:v52+s3+$0x0], $0xffff  }
0x1ef: {  	v63 =	vadd.s32 v7, v23;
	v34 =	vadd.f32 v50, v60;
	v35 =	vld.idx.msk [tilespmem:v55+s3+$0x0], $0xffff;
	[tilespmem:s17+$0xC0] =	vst v61  }
0x1f0: {  	v54 =	vmul.f32 v22, v14;
	v53 =	vadd.s32 v6, v32;
	v52 =	vmul.f32 v27, v13;
	v37 =	vld.idx.msk [tilespmem:v57+s3+$0x0], $0xffff  }
0x1f1: {  	[tilespmem:s8+$0xD0] =	vst v36;
	v60 =	vmul.f32 v25, v13;
	v56 =	vadd.s32 v6, v31;
	v55 =	vmul.f32 v26, v13  }
0x1f2: {  	v59 =	vadd.s32 v6, v30;
	v57 =	vld.idx.msk [tilespmem:v58+s3+$0x0], $0xffff;
	v58 =	vmul.f32 v29, v13;
	v38 =	vadd.f32 v38, v52  }
0x1f3: {  	v50 =	vmul.f32 v26, v14;
	[tilespmem:s8+$0x60] =	vst v34;
	v61 =	vadd.s32 v6, v28;
	v24 =	vadd.f32 v62, v55  }
0x1f4: {  	v33 =	vmul.f32 v17, v14;
	v23 =	vld.idx.msk [tilespmem:v63+s3+$0x0], $0xffff;
	v35 =	vadd.f32 v35, v58;
	[tilespmem:s17+$0x50] =	vst v38  }
0x1f5: {  	v63 =	vadd.s32 v7, v21;
	v34 =	vadd.f32 v37, v60;
	[tilespmem:s17+$0xFFFFFFD0] =	vst v24;
	v38 =	vld.idx.msk [tilespmem:v53+s3+$0x0], $0xffff  }
0x1f6: {  	v51 =	vmul.f32 v29, v14;
	v62 =	vadd.s32 v7, v19;
	[tilespmem:s17+$0xFFFFFF50] =	vst v35;
	v45 =	vld.idx.msk [tilespmem:v56+s3+$0x0], $0xffff  }
0x1f7: {  	v40 =	vmul.f32 v16, v14;
	v33 =	vadd.f32 v42, v33;
	v47 =	vld.idx.msk [tilespmem:v59+s3+$0x0], $0xffff;
	[tilespmem:s17+$0xD0] =	vst v34  }
0x1f8: {  	v44 =	vadd.f32 v39, v54;
	v32 =	vadd.s32 v7, v32;
	v49 =	vmul.f32 v27, v14;
	v34 =	vld.idx.msk [tilespmem:v61+s3+$0x0], $0xffff  }
0x1f9: {  	v31 =	vadd.s32 v7, v31;
	v30 =	vadd.s32 v7, v30;
	[tilespmem:s8+$0xFFFFFF60] =	vst v33;
	v46 =	vadd.f32 v57, v40  }
0x1fa: {  	[tilespmem:s8+$0xFFFFFFE0] =	vst v44;
	v52 =	vmul.f32 v25, v14;
	v21 =	vld.idx.msk [tilespmem:v63+s3+$0x0], $0xffff;
	v24 =	vadd.f32 v38, v49  }
0x1fb: {  	v53 =	vadd.s32 v7, v28;
	[tilespmem:s8+$0xE0] =	vst v46;
	v19 =	vld.idx.msk [tilespmem:v62+s3+$0x0], $0xffff;
	v33 =	vadd.f32 v45, v50  }
0x1fc: {  	v54 =	vmul.f32 v20, v15;
	v18 =	vld.idx.msk [tilespmem:v43+s3+$0x0], $0xffff;
	v55 =	vadd.f32 v47, v51;
	[tilespmem:s17+$0x60] =	vst v24  }
0x1fd: {  	v17 =	vmul.f32 v17, v15;
	v34 =	vadd.f32 v34, v52;
	[tilespmem:s17+$0xFFFFFFE0] =	vst v33;
	v32 =	vld.idx.msk [tilespmem:v32+s3+$0x0], $0xffff  }
0x1fe: {  	v20 =	vadd.f32 v23, v54;
	v56 =	vmul.f32 v22, v15;
	[tilespmem:s17+$0xFFFFFF60] =	vst v55;
	v57 =	vld.idx.msk [tilespmem:v31+s3+$0x0], $0xffff  }
0x1ff: {  	v16 =	vmul.f32 v16, v15;
	v17 =	vadd.f32 v21, v17;
	v58 =	vld.idx.msk [tilespmem:v30+s3+$0x0], $0xffff;
	[tilespmem:s17+$0xE0] =	vst v34  }
0x200: {  	v59 =	vmul.f32 v27, v15;
	[tilespmem:s8+$0x70] =	vst v20;
	v19 =	vadd.f32 v19, v56;
	v60 =	vld.idx.msk [tilespmem:v53+s3+$0x0], $0xffff  }
0x201: {  	v61 =	vmul.f32 v26, v15;
	[tilespmem:s8+$0xFFFFFF70] =	vst v17;
	v16 =	vadd.f32 v18, v16  }
0x202: {  	s31 =	sadd.s32 $0x1, s31;
	v62 =	vmul.f32 v29, v15;
	[tilespmem:s8+$0xFFFFFFF0] =	vst v19;
	v17 =	vadd.f32 v32, v59  }
0x203: {  	p0 =	sne.s32 s31, $0xA0;
	v63 =	vmul.f32 v25, v15;
	[tilespmem:s8+$0xF0] =	vst v16;
	v16 =	vadd.f32 v57, v61  }
.Ltmp4:
0x204: {  	[tilespmem:s17+$0x70] =	vst v17;
	v17 =	vadd.f32 v58, v62;
	(pc) =	sbr.rel @p0 .LBB2_2-.Ltmp4, $4  }
0x205: {  	s0 =	sshll.u32 s0, $0x4;
	[tilespmem:s17+$0xFFFFFFF0] =	vst v16;
	v16 =	vadd.f32 v60, v63  }
0x206: {  	s0 =	sand.u32 $0x1FFFFC00, s0;
	[tilespmem:s17+$0xFFFFFF70] =	vst v17  }
0x207: {  	s0 =	sadd.s32 s2, s0;
	[tilespmem:s17+$0xF0] =	vst v16  }
0x208: {  	[hbm4b:s0+s3] =	stream.linear.scatter [tilespmem:s26], [sflag:$0x4], $0xA000, $0x38;
	[tilespmem:$0x19F00] =	vst v63  }
0x209: {  	s30 =	sadd.s32 $0x1, s30  }
0x20a: {  	_ =	swait.ge [sflag:s28], $0xA000;
	p0 =	sne.s32 s30, s14  }
.Ltmp5:
0x20b: {  	[sflag:s28] =	ssyncset.done $0x0;
	(pc) =	sbr.rel @p0 .LBB2_1-.Ltmp5, $4  }
0x20c: {  	[sflag:s28] =	ssyncadd.s32 $0xFFFF6000  }
0x20d: {  	_ =	swait.ge [sflag:s29], $0xA000  }
0x20e: {  	[sflag:s29] =	ssyncset.done $0x0  }
0x20f: {  	[sflag:s29] =	ssyncadd.s32 $0xFFFF6000  }
0x210: {  	_ =	sfence.sel $0x180000  }
0x211: {  	[bflag:$0x0] =	sbarrier.arrive $0xFFFF  }
0x212: {  	_ =	strace $0x90000047  }
0x213: {  	s0 =	stileid.u32;
	[bflag:$0x2] =	sbarrier.arrive $0xFFFF  }
0x214: {  	p0 =	sne.s32 s0, $0x0;
	s0 =	rddreg [dreg:$0x2]  }
0x215: {  	s0 =	sadd.s32 @!p0 $0x100000, s0  }
0x216: {  	[sflag:s0] =	ssyncadd.tile.s32 @!p0 $0x1;
	_ =	shalt  }
.Lfunc_end2:
_tile_overlayer_lowered:
.L_overlay_start_2:
0x217: {  	(tag) =	ssettag $0x2  }
0x218: {  	s0 =	rddreg [dreg:$0x0];
	s2 =	stileid.u32  }
0x219: {  	s1 =	rddreg [dreg:$0x1];
	p0 =	sne.s32 s2, $0x0  }
0x21a: {  	s3 =	rddreg [dreg:$0x2];
	[bflag:$0x3] =	sbarrier.arrive $0xFFFF;
	s2 =	simm.s32 @!p0 $0x1C05  }
0x21b: {  	[timem:s3], [sflag:s2] =	dma.local @!p0 [hbm:s0], s1  }
0x21c: {  	s0 =	simm.s32 @!p0 $0x5  }
0x21d: {  	_ =	swait.ge @!p0 [sflag:s0], s1  }
0x21e: {  	s1 =	ssub.s32 @!p0 $0x0, s1;
	[sflag:s0] =	ssyncset.done @!p0 $0x0  }
0x21f: {  	[sflag:s0] =	ssyncadd.s32 @!p0 s1  }
0x220: {  	[bflag:$0x3] =	sbarrier.arrive $0xFFFF  }
0x221: {  	_ =	shalt  }

</sc_bundles>
